<compile_context>
chip_gen: v7x
topology: tpu7x:2x2x1
jax: 0.10.2.dev20260603
libtpu: 0.0.44.dev20260713+nightly
codegen_flags: <defaults>
</compile_context>

<pallas_src>
import functools

import jax
import jax.numpy as jnp
from jax import lax
from jax.experimental import pallas as pl
from jax.experimental.pallas import tpu as pltpu
from jax.experimental.pallas import tpu_sc as plsc

D = 1024
E = 16
T = 2048
P = 2 * T
BM = 128
NBMAX = P // BM + E
NRMAX = NBMAX * BM
NW = 32
EPS = 1e-6
TB = 256
DP = D // 2


def _pack_bf16(v):
    u = lax.bitcast_convert_type(v, jnp.uint32)
    r = (u + 0x7FFF + ((u >> 16) & 1)) >> 16
    pk = r[:, :DP] | (r[:, DP:] << 16)
    return lax.bitcast_convert_type(pk, jnp.int32)


def _unpack_bf16(pk):
    u = lax.bitcast_convert_type(pk, jnp.uint32)
    lo = lax.bitcast_convert_type(u << 16, jnp.float32)
    hi = lax.bitcast_convert_type(u & jnp.uint32(0xFFFF0000), jnp.float32)
    return jnp.concatenate([lo, hi], axis=1)


def _router_body(x_ref, wr_ref, br_ref,
                 d0_ref, d1_ref, w01_ref, meta_ref, xpk_ref):
    xf = x_ref[...]
    xpk_ref[...] = _pack_bf16(xf)
    logits = lax.dot_general(xf, wr_ref[...], (((1,), (1,)), ((), ())),
                             preferred_element_type=jnp.float32)
    logits = logits + br_ref[...]
    lane = lax.broadcasted_iota(jnp.int32, (T, E), 1)
    m1 = jnp.max(logits, axis=1, keepdims=True)
    i1 = jnp.min(jnp.where(logits == m1, lane, E), axis=1, keepdims=True)
    l2 = jnp.where(lane == i1, -jnp.inf, logits)
    m2 = jnp.max(l2, axis=1, keepdims=True)
    i2 = jnp.min(jnp.where(l2 == m2, lane, E), axis=1, keepdims=True)
    w1 = 1.0 / (1.0 + jnp.exp(m2 - m1))
    w01_ref[...] = jnp.concatenate(
        [jnp.broadcast_to(w1, (T, 4)), jnp.broadcast_to(1.0 - w1, (T, 4))],
        axis=1)

    oh = jnp.concatenate([lane == i1, lane == i2], axis=0).astype(jnp.int32)
    ohf = oh.astype(jnp.float32)
    C = 512
    tri = (lax.broadcasted_iota(jnp.int32, (C, C), 0)
           >= lax.broadcasted_iota(jnp.int32, (C, C), 1)).astype(jnp.float32)
    parts = []
    run = jnp.zeros((1, E), jnp.float32)
    for k in range(P // C):
        cs = lax.dot_general(
            tri, ohf[k * C:(k + 1) * C], (((1,), (0,)), ((), ())),
            preferred_element_type=jnp.float32) + run
        parts.append(cs)
        run = cs[C - 1:C, :]
    csum = jnp.concatenate(parts, axis=0).astype(jnp.int32)
    counts = csum[P - 1:P, :]
    pc = ((counts + (BM - 1)) // BM) * BM
    ipc = pc
    s = 1
    while s < E:
        ipc = ipc + jnp.concatenate(
            [jnp.zeros((1, s), jnp.int32), ipc[:, :E - s]], axis=1)
        s *= 2
    poff = ipc - pc
    destc = jnp.sum(oh * (csum + jnp.broadcast_to(poff, (P, E))),
                    axis=1, keepdims=True) - 1
    d0_ref[...] = destc[:T].reshape(NW, T // NW)
    d1_ref[...] = destc[T:].reshape(NW, T // NW)

    nblk_end = ipc // BM
    nbt = nblk_end[:, E - 1:E]
    li = lax.broadcasted_iota(jnp.int32, (E, E), 0)
    lj = lax.broadcasted_iota(jnp.int32, (E, E), 1)
    ident = (li == lj).astype(jnp.float32)
    nblk_col = lax.dot_general(
        ident, nblk_end.astype(jnp.float32), (((1,), (1,)), ((), ())),
        preferred_element_type=jnp.float32).astype(jnp.int32)
    bi = lax.broadcasted_iota(jnp.int32, (E, NBMAX), 1)
    bic = jnp.minimum(bi, nbt - 1)
    be_row = jnp.sum((bic >= nblk_col).astype(jnp.int32),
                     axis=0, keepdims=True)

    shifted = jnp.concatenate(
        [jnp.full((1, 1), -1, jnp.int32), be_row[:, :NBMAX - 1]], axis=1)
    first_row = (be_row != shifted).astype(jnp.int32)
    gidx = first_row
    s = 1
    while s < NBMAX:
        gidx = gidx + jnp.concatenate(
            [jnp.zeros((1, s), jnp.int32), gidx[:, :NBMAX - s]], axis=1)
        s *= 2
    gidx = gidx - 1
    slot_row = jnp.bitwise_and(gidx, 1)

    ni = lax.broadcasted_iota(jnp.int32, (NBMAX, NBMAX), 0)
    nj = lax.broadcasted_iota(jnp.int32, (NBMAX, NBMAX), 1)
    identn = (ni == nj).astype(jnp.float32)

    def _col(row):
        return lax.dot_general(
            identn, row.astype(jnp.float32), (((1,), (1,)), ((), ())),
            preferred_element_type=jnp.float32).astype(jnp.int32)

    be_col = _col(be_row)
    gidx_col = _col(gidx)
    first_col = _col(first_row)
    m2 = jnp.logical_and(first_col > 0, gidx_col == gidx + 1)
    pe_row = jnp.sum(jnp.where(m2, jnp.broadcast_to(be_col, (NBMAX, NBMAX)), 0),
                     axis=0, keepdims=True)
    st_row = jnp.sum(m2.astype(jnp.int32), axis=0, keepdims=True)
    meta_ref[...] = jnp.concatenate(
        [nbt, be_row, slot_row, pe_row, st_row], axis=1)


def _router(x_flat, Wr, br2):
    return pl.pallas_call(
        _router_body,
        out_shape=(
            jax.ShapeDtypeStruct((NW, T // NW), jnp.int32),
            jax.ShapeDtypeStruct((NW, T // NW), jnp.int32),
            jax.ShapeDtypeStruct((T, 8), jnp.float32),
            jax.ShapeDtypeStruct((1, 1 + 4 * NBMAX), jnp.int32),
            jax.ShapeDtypeStruct((T, DP), jnp.int32),
        ),
    )(x_flat, Wr, br2)


def _sc_dispatch(x_flat, d0, d1):
    mesh = plsc.VectorSubcoreMesh(core_axis_name="c", subcore_axis_name="s")

    @functools.partial(
        pl.kernel, mesh=mesh,
        out_type=jax.ShapeDtypeStruct((NRMAX, DP), jnp.int32),
        scratch_types=[
            pltpu.VMEM((64,), jnp.int32),
            pltpu.VMEM((64,), jnp.int32),
            pltpu.VMEM((64, DP), jnp.int32),
            pltpu.SemaphoreType.DMA,
            pltpu.SemaphoreType.DMA,
        ],
    )
    def k(x_hbm, d0_hbm, d1_hbm, xs_hbm, i0_v, i1_v, rows_v, semr, sem):
        wid = lax.axis_index("s") * 2 + lax.axis_index("c")
        tok0 = wid * 64
        hr = pltpu.async_copy(x_hbm.at[pl.ds(tok0, 64)], rows_v, semr)
        pltpu.sync_copy(d0_hbm.at[wid], i0_v)
        pltpu.sync_copy(d1_hbm.at[wid], i1_v)
        hr.wait()
        h0 = pltpu.async_copy(rows_v, xs_hbm.at[i0_v], sem)
        h1 = pltpu.async_copy(rows_v, xs_hbm.at[i1_v], sem)
        h0.wait()
        h1.wait()

    return k(x_flat, d0, d1)


def _gmm_body(meta_ref, xs_ref, we_hbm, beb_ref, ys_ref, we_v, sems):
    i = pl.program_id(0)
    nbt = meta_ref[0]

    @pl.when(i < nbt)
    def _():
        e = meta_ref[1 + i]
        slot = meta_ref[1 + NBMAX + i]
        pe = meta_ref[1 + 2 * NBMAX + i]
        st = meta_ref[1 + 3 * NBMAX + i]
        first = jnp.logical_or(i == 0, e != meta_ref[i])

        def _we_copy(expert, s):
            return [
                pltpu.make_async_copy(
                    we_hbm.at[expert, pl.ds(h * (D // 4), D // 4)],
                    we_v.at[s, pl.ds(h * (D // 4), D // 4)],
                    sems.at[s, h])
                for h in range(4)
            ]

        @pl.when(i == 0)
        def _():
            for c in _we_copy(e, 0):
                c.start()

        @pl.when(jnp.logical_and(first, st == 1))
        def _():
            for c in _we_copy(pe, 1 - slot):
                c.start()

        @pl.when(first)
        def _():
            for c in _we_copy(e, slot):
                c.wait()

        acc = lax.dot_general(
            _unpack_bf16(xs_ref[...]), we_v[slot],
            (((1,), (1,)), ((), ())),
            preferred_element_type=jnp.float32)
        acc = acc + beb_ref[0]
        ys_ref[...] = _pack_bf16(acc / (1.0 + jnp.exp(-acc)))


def _gmm(meta, xs, We, be):
    grid_spec = pltpu.PrefetchScalarGridSpec(
        num_scalar_prefetch=1,
        grid=(NBMAX,),
        in_specs=[
            pl.BlockSpec((BM, DP), lambda i, m: (jnp.minimum(i, m[0] - 1), 0)),
            pl.BlockSpec(memory_space=pl.ANY),
            pl.BlockSpec((1, 1, D), lambda i, m: (m[1 + i], 0, 0)),
        ],
        out_specs=pl.BlockSpec((BM, DP), lambda i, m: (i, 0)),
        scratch_shapes=[
            pltpu.VMEM((2, D, D), jnp.float32),
            pltpu.SemaphoreType.DMA((2, 4)),
        ],
    )
    return pl.pallas_call(
        _gmm_body,
        grid_spec=grid_spec,
        out_shape=jax.ShapeDtypeStruct((NRMAX, DP), jnp.int32),
    )(meta, xs, We, be.reshape(E, 1, D))


def _sc_combine(ys, d0, d1):
    mesh = plsc.VectorSubcoreMesh(core_axis_name="c", subcore_axis_name="s")

    @functools.partial(
        pl.kernel, mesh=mesh,
        out_type=(
            jax.ShapeDtypeStruct((T, DP), jnp.int32),
            jax.ShapeDtypeStruct((T, DP), jnp.int32),
        ),
        scratch_types=[
            pltpu.VMEM((64,), jnp.int32),
            pltpu.VMEM((64,), jnp.int32),
            pltpu.VMEM((64, DP), jnp.int32),
            pltpu.VMEM((64, DP), jnp.int32),
            pltpu.SemaphoreType.DMA,
            pltpu.SemaphoreType.DMA,
            pltpu.SemaphoreType.DMA,
            pltpu.SemaphoreType.DMA,
        ],
    )
    def k(ys_hbm, d0_hbm, d1_hbm, g0_hbm, g1_hbm,
          i0_v, i1_v, r0_v, r1_v, s0, s1, s2, s3):
        wid = lax.axis_index("s") * 2 + lax.axis_index("c")
        tok0 = wid * 64
        pltpu.sync_copy(d0_hbm.at[wid], i0_v)
        pltpu.sync_copy(d1_hbm.at[wid], i1_v)
        h0 = pltpu.async_copy(ys_hbm.at[i0_v], r0_v, s0)
        h1 = pltpu.async_copy(ys_hbm.at[i1_v], r1_v, s1)
        h0.wait()
        w0 = pltpu.async_copy(r0_v, g0_hbm.at[pl.ds(tok0, 64)], s2)
        h1.wait()
        w1 = pltpu.async_copy(r1_v, g1_hbm.at[pl.ds(tok0, 64)], s3)
        w0.wait()
        w1.wait()

    return k(ys, d0, d1)


def _final_body(g0_ref, g1_ref, w01_ref, x_ref, wo_ref, bo_ref,
                nw_ref, o_ref):
    comb = (_unpack_bf16(g0_ref[...]) * w01_ref[...][:, :1]
            + _unpack_bf16(g1_ref[...]) * w01_ref[...][:, 4:5])
    out = lax.dot_general(
        comb.astype(jnp.bfloat16), wo_ref[...], (((1,), (1,)), ((), ())),
        preferred_element_type=jnp.float32) + bo_ref[...]
    h = _unpack_bf16(x_ref[...]) + out
    rms = lax.rsqrt(jnp.mean(h * h, axis=1, keepdims=True) + EPS)
    o_ref[...] = nw_ref[...] * (h * rms)


def _final(g0, g1, w01, x_flat, Wo, bo2, nw2):
    return pl.pallas_call(
        _final_body,
        grid=(T // TB,),
        in_specs=[
            pl.BlockSpec((TB, DP), lambda i: (i, 0)),
            pl.BlockSpec((TB, DP), lambda i: (i, 0)),
            pl.BlockSpec((TB, 8), lambda i: (i, 0)),
            pl.BlockSpec((TB, DP), lambda i: (i, 0)),
            pl.BlockSpec((D, D), lambda i: (0, 0)),
            pl.BlockSpec((1, D), lambda i: (0, 0)),
            pl.BlockSpec((1, D), lambda i: (0, 0)),
        ],
        out_specs=pl.BlockSpec((TB, D), lambda i: (i, 0)),
        out_shape=jax.ShapeDtypeStruct((T, D), jnp.float32),
    )(g0, g1, w01, x_flat, Wo, bo2, nw2)


def kernel(x, Wr, br, We, be, Wo, bo, norm_w):
    x_flat = x.reshape(T, D)
    d0, d1, w01, meta2, xpk = _router(x_flat, Wr, br.reshape(1, E))
    meta = meta2.reshape(1 + 4 * NBMAX)
    xs = _sc_dispatch(xpk, d0, d1)
    ys = _gmm(meta, xs, We, be)
    g0, g1 = _sc_combine(ys, d0, d1)
    out = _final(g0, g1, w01, xpk, Wo.astype(jnp.bfloat16),
                 bo.reshape(1, D), norm_w.reshape(1, D))
    return out.reshape(1, T, D)

# --- scband reference (transcript-rebuilt; emitter-appended) ---
"""Pipeline reference for scband-serriform-net-41120016891975 (READ-ONLY COPY).

The authoritative reference and input builder live on the scoring server;
editing this copy changes nothing except your own understanding.
"""

import jax, jax.numpy as jnp
import numpy as np

DIM = 1024
E = 16
TOPK = 2
B, S = 1, 2048
EPS = 1e-6

def setup_inputs(seed: int = 0) -> dict:
    key = jax.random.key(seed)
    ks = jax.random.split(key, 8)
    x = jax.random.normal(ks[0], (B, S, DIM), dtype=jnp.float32)
    Wr = jax.random.normal(ks[1], (E, DIM), dtype=jnp.float32) * 0.02
    br = jnp.zeros((E,), dtype=jnp.float32)
    We = jax.random.normal(ks[2], (E, DIM, DIM), dtype=jnp.float32) * 0.02
    be = jnp.zeros((E, DIM), dtype=jnp.float32)
    Wo = jax.random.normal(ks[3], (DIM, DIM), dtype=jnp.float32) * 0.02
    bo = jnp.zeros((DIM,), dtype=jnp.float32)
    norm_w = jnp.ones((DIM,), dtype=jnp.float32)
    return {"x": x, "Wr": Wr, "br": br, "We": We, "be": be, "Wo": Wo, "bo": bo, "norm_w": norm_w}

def _rmsnorm(x, w):
    rms = jnp.sqrt(jnp.mean(x * x, axis=-1, keepdims=True) + EPS)
    return w * (x / rms)

def reference(x, Wr, br, We, be, Wo, bo, norm_w):
    Bs, Ss, D = x.shape
    # Router: nn.Linear(dim, num_experts)
    routing_logits = x @ Wr.T + br  # [B, S, E]
    topk_gate_logits, topk_indices = jax.lax.top_k(routing_logits, TOPK)
    topk_routing_weights = jax.nn.softmax(topk_gate_logits, axis=-1)  # [B, S, TOPK]

    x_flat = x.reshape(-1, D)  # [T, D]
    T = x_flat.shape[0]

    # Expert MLP: Linear(dim, dim) -> SiLU -> Dropout(eval: identity)
    # Compute all experts for all tokens, then gather per-token selected expert
    # (mathematically identical to the masked scatter in the torch code).
    expert_all = jnp.einsum('td,ehd->teh', x_flat, We) + be[None, :, :]  # [T, E, D]
    expert_all = jax.nn.silu(expert_all)

    topi_flat = topk_indices.reshape(T, TOPK)
    rw_flat = topk_routing_weights.reshape(T, TOPK)

    combined = jnp.zeros_like(x_flat)
    tok_ids = jnp.arange(T)
    for k in range(TOPK):
        out_k = expert_all[tok_ids, topi_flat[:, k]]  # [T, D] gather along expert dim
        combined = combined + out_k * rw_flat[:, k][:, None]

    combined = combined.reshape(Bs, Ss, D)
    output = combined @ Wo.T + bo  # output_proj
    return _rmsnorm(x + output, norm_w)

if __name__ == "__main__":
    import jax
    _d = setup_inputs()
    print(jax.jit(kernel)(*tuple(_d.values())))

</pallas_src>

<mosaic_0001>
#map = affine_map<(d0, d1) -> (0, 0)>
module attributes {stable_mosaic.version = 14 : i64} {
  func.func @k(%arg0: i32, %arg1: i32, %arg2: memref<6144x512xi32, #tpu.memory_space<hbm>>, %arg3: memref<32x64xi32, #tpu.memory_space<hbm>>, %arg4: memref<32x64xi32, #tpu.memory_space<hbm>>, %arg5: memref<2048x512xi32, #tpu.memory_space<hbm>>, %arg6: memref<2048x512xi32, #tpu.memory_space<hbm>>, %arg7: memref<64xi32, #tpu.memory_space<vmem>>, %arg8: memref<64xi32, #tpu.memory_space<vmem>>, %arg9: memref<64x512xi32, #tpu.memory_space<vmem>>, %arg10: memref<64x512xi32, #tpu.memory_space<vmem>>, %arg11: memref<!tpu.dma_semaphore, #tpu.memory_space<semaphore_mem>>, %arg12: memref<!tpu.dma_semaphore, #tpu.memory_space<semaphore_mem>>, %arg13: memref<!tpu.dma_semaphore, #tpu.memory_space<semaphore_mem>>, %arg14: memref<!tpu.dma_semaphore, #tpu.memory_space<semaphore_mem>>) attributes {dimension_semantics = [#tpu.dimension_semantics<core_parallel>, #tpu.dimension_semantics<subcore_parallel>], iteration_bounds = array<i64: 2, 16>, scalar_prefetch = 0 : i64, scratch_operands = 8 : i64, tpu.core_type = #tpu.core_type<sc_vector_subcore>, window_params = [{transform_indices = #map}, {transform_indices = #map}, {transform_indices = #map}, {transform_indices = #map}, {transform_indices = #map}]} {
    %mul3A = arith.constant 2 : i32
    %mul3A_0 = arith.muli %arg1, %mul3A : i32
    %add3A = arith.addi %mul3A_0, %arg0 : i32
    %mul3A_1 = arith.constant 64 : i32
    %mul3A_2 = arith.muli %add3A, %mul3A_1 : i32
    "tpu.region"() ({
      %run_scoped3A = tpu.sem_alloc : memref<!tpu.dma_semaphore, #tpu.memory_space<semaphore_mem>>
      %dma_start3A_29 = arith.constant 0 : i32
      %dma_start3A_30 = tpu.memref_slice %arg3[%add3A, %dma_start3A_29] : memref<32x64xi32, #tpu.memory_space<hbm>> -> memref<1x64xi32, #tpu.memory_space<hbm>>
      %dma_start3A_31 = tpu.memref_squeeze %dma_start3A_30 : memref<1x64xi32, #tpu.memory_space<hbm>> -> memref<64xi32, #tpu.memory_space<hbm>>
      %dma_start3A_32 = arith.constant 0 : i32
      %dma_start3A_33 = tpu.memref_slice %arg3[%add3A, %dma_start3A_32] : memref<32x64xi32, #tpu.memory_space<hbm>> -> memref<1x64xi32, #tpu.memory_space<hbm>>
      %dma_start3A_34 = tpu.memref_squeeze %dma_start3A_33 : memref<1x64xi32, #tpu.memory_space<hbm>> -> memref<64xi32, #tpu.memory_space<hbm>>
      tpu.enqueue_dma source(%dma_start3A_34 : memref<64xi32, #tpu.memory_space<hbm>>) target(%arg7 : memref<64xi32, #tpu.memory_space<vmem>>) target_semaphore(%run_scoped3A : memref<!tpu.dma_semaphore, #tpu.memory_space<semaphore_mem>>)
      %dma_wait3A_35 = arith.constant 0 : i32
      %dma_wait3A_36 = tpu.memref_slice %arg3[%add3A, %dma_wait3A_35] : memref<32x64xi32, #tpu.memory_space<hbm>> -> memref<1x64xi32, #tpu.memory_space<hbm>>
      %dma_wait3A_37 = tpu.memref_squeeze %dma_wait3A_36 : memref<1x64xi32, #tpu.memory_space<hbm>> -> memref<64xi32, #tpu.memory_space<hbm>>
      %dma_wait3A_38 = arith.constant 0 : i32
      %dma_wait3A_39 = tpu.memref_slice %arg3[%add3A, %dma_wait3A_38] : memref<32x64xi32, #tpu.memory_space<hbm>> -> memref<1x64xi32, #tpu.memory_space<hbm>>
      %dma_wait3A_40 = tpu.memref_squeeze %dma_wait3A_39 : memref<1x64xi32, #tpu.memory_space<hbm>> -> memref<64xi32, #tpu.memory_space<hbm>>
      tpu.wait_dma2 semaphore(%run_scoped3A : memref<!tpu.dma_semaphore, #tpu.memory_space<semaphore_mem>>) src(%dma_wait3A_40 : memref<64xi32, #tpu.memory_space<hbm>>) dst(%arg7 : memref<64xi32, #tpu.memory_space<vmem>>)
      tpu.yield
    }) : () -> ()
    "tpu.region"() ({
      %run_scoped3A = tpu.sem_alloc : memref<!tpu.dma_semaphore, #tpu.memory_space<semaphore_mem>>
      %dma_start3A_29 = arith.constant 0 : i32
      %dma_start3A_30 = tpu.memref_slice %arg4[%add3A, %dma_start3A_29] : memref<32x64xi32, #tpu.memory_space<hbm>> -> memref<1x64xi32, #tpu.memory_space<hbm>>
      %dma_start3A_31 = tpu.memref_squeeze %dma_start3A_30 : memref<1x64xi32, #tpu.memory_space<hbm>> -> memref<64xi32, #tpu.memory_space<hbm>>
      %dma_start3A_32 = arith.constant 0 : i32
      %dma_start3A_33 = tpu.memref_slice %arg4[%add3A, %dma_start3A_32] : memref<32x64xi32, #tpu.memory_space<hbm>> -> memref<1x64xi32, #tpu.memory_space<hbm>>
      %dma_start3A_34 = tpu.memref_squeeze %dma_start3A_33 : memref<1x64xi32, #tpu.memory_space<hbm>> -> memref<64xi32, #tpu.memory_space<hbm>>
      tpu.enqueue_dma source(%dma_start3A_34 : memref<64xi32, #tpu.memory_space<hbm>>) target(%arg8 : memref<64xi32, #tpu.memory_space<vmem>>) target_semaphore(%run_scoped3A : memref<!tpu.dma_semaphore, #tpu.memory_space<semaphore_mem>>)
      %dma_wait3A_35 = arith.constant 0 : i32
      %dma_wait3A_36 = tpu.memref_slice %arg4[%add3A, %dma_wait3A_35] : memref<32x64xi32, #tpu.memory_space<hbm>> -> memref<1x64xi32, #tpu.memory_space<hbm>>
      %dma_wait3A_37 = tpu.memref_squeeze %dma_wait3A_36 : memref<1x64xi32, #tpu.memory_space<hbm>> -> memref<64xi32, #tpu.memory_space<hbm>>
      %dma_wait3A_38 = arith.constant 0 : i32
      %dma_wait3A_39 = tpu.memref_slice %arg4[%add3A, %dma_wait3A_38] : memref<32x64xi32, #tpu.memory_space<hbm>> -> memref<1x64xi32, #tpu.memory_space<hbm>>
      %dma_wait3A_40 = tpu.memref_squeeze %dma_wait3A_39 : memref<1x64xi32, #tpu.memory_space<hbm>> -> memref<64xi32, #tpu.memory_space<hbm>>
      tpu.wait_dma2 semaphore(%run_scoped3A : memref<!tpu.dma_semaphore, #tpu.memory_space<semaphore_mem>>) src(%dma_wait3A_40 : memref<64xi32, #tpu.memory_space<hbm>>) dst(%arg8 : memref<64xi32, #tpu.memory_space<vmem>>)
      tpu.yield
    }) : () -> ()
    %dma_start3A = arith.constant 0 : i32
    %dma_start3A_3 = arith.constant 0 : i32
    %dma_start3A_4 = tpu.memref_slice %arg2[%dma_start3A, %dma_start3A_3] : memref<6144x512xi32, #tpu.memory_space<hbm>> -> memref<6144x512xi32, #tpu.memory_space<hbm>>
    tpu.enqueue_indirect_dma source(%dma_start3A_4 : memref<6144x512xi32, #tpu.memory_space<hbm>>) target(%arg9 : memref<64x512xi32, #tpu.memory_space<vmem>>) offsets(%arg7 : memref<64xi32, #tpu.memory_space<vmem>>) semaphore(%arg11 : memref<!tpu.dma_semaphore, #tpu.memory_space<semaphore_mem>>)
    %dma_start3A_5 = arith.constant 0 : i32
    %dma_start3A_6 = arith.constant 0 : i32
    %dma_start3A_7 = tpu.memref_slice %arg2[%dma_start3A_5, %dma_start3A_6] : memref<6144x512xi32, #tpu.memory_space<hbm>> -> memref<6144x512xi32, #tpu.memory_space<hbm>>
    tpu.enqueue_indirect_dma source(%dma_start3A_7 : memref<6144x512xi32, #tpu.memory_space<hbm>>) target(%arg10 : memref<64x512xi32, #tpu.memory_space<vmem>>) offsets(%arg8 : memref<64xi32, #tpu.memory_space<vmem>>) semaphore(%arg12 : memref<!tpu.dma_semaphore, #tpu.memory_space<semaphore_mem>>)
    %dma_wait3A = arith.constant 0 : i32
    %dma_wait3A_8 = arith.constant 0 : i32
    %dma_wait3A_9 = tpu.memref_slice %arg2[%dma_wait3A, %dma_wait3A_8] : memref<6144x512xi32, #tpu.memory_space<hbm>> -> memref<6144x512xi32, #tpu.memory_space<hbm>>
    tpu.wait_indirect_dma semaphore(%arg11 : memref<!tpu.dma_semaphore, #tpu.memory_space<semaphore_mem>>) src(%dma_wait3A_9 : memref<6144x512xi32, #tpu.memory_space<hbm>>) dst(%arg9 : memref<64x512xi32, #tpu.memory_space<vmem>>)
    %dma_start3A_10 = arith.constant 0 : i32
    %dma_start3A_11 = tpu.memref_slice %arg5[%mul3A_2, %dma_start3A_10] : memref<2048x512xi32, #tpu.memory_space<hbm>> -> memref<64x512xi32, #tpu.memory_space<hbm>>
    %dma_start3A_12 = arith.constant 0 : i32
    %dma_start3A_13 = tpu.memref_slice %arg5[%mul3A_2, %dma_start3A_12] : memref<2048x512xi32, #tpu.memory_space<hbm>> -> memref<64x512xi32, #tpu.memory_space<hbm>>
    tpu.enqueue_dma source(%arg9 : memref<64x512xi32, #tpu.memory_space<vmem>>) target(%dma_start3A_13 : memref<64x512xi32, #tpu.memory_space<hbm>>) target_semaphore(%arg13 : memref<!tpu.dma_semaphore, #tpu.memory_space<semaphore_mem>>)
    %dma_wait3A_14 = arith.constant 0 : i32
    %dma_wait3A_15 = arith.constant 0 : i32
    %dma_wait3A_16 = tpu.memref_slice %arg2[%dma_wait3A_14, %dma_wait3A_15] : memref<6144x512xi32, #tpu.memory_space<hbm>> -> memref<6144x512xi32, #tpu.memory_space<hbm>>
    tpu.wait_indirect_dma semaphore(%arg12 : memref<!tpu.dma_semaphore, #tpu.memory_space<semaphore_mem>>) src(%dma_wait3A_16 : memref<6144x512xi32, #tpu.memory_space<hbm>>) dst(%arg10 : memref<64x512xi32, #tpu.memory_space<vmem>>)
    %dma_start3A_17 = arith.constant 0 : i32
    %dma_start3A_18 = tpu.memref_slice %arg6[%mul3A_2, %dma_start3A_17] : memref<2048x512xi32, #tpu.memory_space<hbm>> -> memref<64x512xi32, #tpu.memory_space<hbm>>
    %dma_start3A_19 = arith.constant 0 : i32
    %dma_start3A_20 = tpu.memref_slice %arg6[%mul3A_2, %dma_start3A_19] : memref<2048x512xi32, #tpu.memory_space<hbm>> -> memref<64x512xi32, #tpu.memory_space<hbm>>
    tpu.enqueue_dma source(%arg10 : memref<64x512xi32, #tpu.memory_space<vmem>>) target(%dma_start3A_20 : memref<64x512xi32, #tpu.memory_space<hbm>>) target_semaphore(%arg14 : memref<!tpu.dma_semaphore, #tpu.memory_space<semaphore_mem>>)
    %dma_wait3A_21 = arith.constant 0 : i32
    %dma_wait3A_22 = tpu.memref_slice %arg5[%mul3A_2, %dma_wait3A_21] : memref<2048x512xi32, #tpu.memory_space<hbm>> -> memref<64x512xi32, #tpu.memory_space<hbm>>
    %dma_wait3A_23 = arith.constant 0 : i32
    %dma_wait3A_24 = tpu.memref_slice %arg5[%mul3A_2, %dma_wait3A_23] : memref<2048x512xi32, #tpu.memory_space<hbm>> -> memref<64x512xi32, #tpu.memory_space<hbm>>
    tpu.wait_dma2 semaphore(%arg13 : memref<!tpu.dma_semaphore, #tpu.memory_space<semaphore_mem>>) src(%arg9 : memref<64x512xi32, #tpu.memory_space<vmem>>) dst(%dma_wait3A_24 : memref<64x512xi32, #tpu.memory_space<hbm>>)
    %dma_wait3A_25 = arith.constant 0 : i32
    %dma_wait3A_26 = tpu.memref_slice %arg6[%mul3A_2, %dma_wait3A_25] : memref<2048x512xi32, #tpu.memory_space<hbm>> -> memref<64x512xi32, #tpu.memory_space<hbm>>
    %dma_wait3A_27 = arith.constant 0 : i32
    %dma_wait3A_28 = tpu.memref_slice %arg6[%mul3A_2, %dma_wait3A_27] : memref<2048x512xi32, #tpu.memory_space<hbm>> -> memref<64x512xi32, #tpu.memory_space<hbm>>
    tpu.wait_dma2 semaphore(%arg14 : memref<!tpu.dma_semaphore, #tpu.memory_space<semaphore_mem>>) src(%arg10 : memref<64x512xi32, #tpu.memory_space<vmem>>) dst(%dma_wait3A_28 : memref<64x512xi32, #tpu.memory_space<hbm>>)
    return
  }
}

#map = affine_map<(d0, d1) -> (0, 0)>
module attributes {stable_mosaic.version = 14 : i64} {
  func.func @k(%arg0: i32, %arg1: i32, %arg2: memref<2048x512xi32, #tpu.memory_space<hbm>>, %arg3: memref<32x64xi32, #tpu.memory_space<hbm>>, %arg4: memref<32x64xi32, #tpu.memory_space<hbm>>, %arg5: memref<6144x512xi32, #tpu.memory_space<hbm>>, %arg6: memref<64xi32, #tpu.memory_space<vmem>>, %arg7: memref<64xi32, #tpu.memory_space<vmem>>, %arg8: memref<64x512xi32, #tpu.memory_space<vmem>>, %arg9: memref<!tpu.dma_semaphore, #tpu.memory_space<semaphore_mem>>, %arg10: memref<!tpu.dma_semaphore, #tpu.memory_space<semaphore_mem>>) attributes {dimension_semantics = [#tpu.dimension_semantics<core_parallel>, #tpu.dimension_semantics<subcore_parallel>], iteration_bounds = array<i64: 2, 16>, scalar_prefetch = 0 : i64, scratch_operands = 5 : i64, tpu.core_type = #tpu.core_type<sc_vector_subcore>, window_params = [{transform_indices = #map}, {transform_indices = #map}, {transform_indices = #map}, {transform_indices = #map}]} {
    %mul3A = arith.constant 2 : i32
    %mul3A_0 = arith.muli %arg1, %mul3A : i32
    %add3A = arith.addi %mul3A_0, %arg0 : i32
    %mul3A_1 = arith.constant 64 : i32
    %mul3A_2 = arith.muli %add3A, %mul3A_1 : i32
    %dma_start3A = arith.constant 0 : i32
    %dma_start3A_3 = tpu.memref_slice %arg2[%mul3A_2, %dma_start3A] : memref<2048x512xi32, #tpu.memory_space<hbm>> -> memref<64x512xi32, #tpu.memory_space<hbm>>
    %dma_start3A_4 = arith.constant 0 : i32
    %dma_start3A_5 = tpu.memref_slice %arg2[%mul3A_2, %dma_start3A_4] : memref<2048x512xi32, #tpu.memory_space<hbm>> -> memref<64x512xi32, #tpu.memory_space<hbm>>
    tpu.enqueue_dma source(%dma_start3A_5 : memref<64x512xi32, #tpu.memory_space<hbm>>) target(%arg8 : memref<64x512xi32, #tpu.memory_space<vmem>>) target_semaphore(%arg9 : memref<!tpu.dma_semaphore, #tpu.memory_space<semaphore_mem>>)
    "tpu.region"() ({
      %run_scoped3A = tpu.sem_alloc : memref<!tpu.dma_semaphore, #tpu.memory_space<semaphore_mem>>
      %dma_start3A_21 = arith.constant 0 : i32
      %dma_start3A_22 = tpu.memref_slice %arg3[%add3A, %dma_start3A_21] : memref<32x64xi32, #tpu.memory_space<hbm>> -> memref<1x64xi32, #tpu.memory_space<hbm>>
      %dma_start3A_23 = tpu.memref_squeeze %dma_start3A_22 : memref<1x64xi32, #tpu.memory_space<hbm>> -> memref<64xi32, #tpu.memory_space<hbm>>
      %dma_start3A_24 = arith.constant 0 : i32
      %dma_start3A_25 = tpu.memref_slice %arg3[%add3A, %dma_start3A_24] : memref<32x64xi32, #tpu.memory_space<hbm>> -> memref<1x64xi32, #tpu.memory_space<hbm>>
      %dma_start3A_26 = tpu.memref_squeeze %dma_start3A_25 : memref<1x64xi32, #tpu.memory_space<hbm>> -> memref<64xi32, #tpu.memory_space<hbm>>
      tpu.enqueue_dma source(%dma_start3A_26 : memref<64xi32, #tpu.memory_space<hbm>>) target(%arg6 : memref<64xi32, #tpu.memory_space<vmem>>) target_semaphore(%run_scoped3A : memref<!tpu.dma_semaphore, #tpu.memory_space<semaphore_mem>>)
      %dma_wait3A_27 = arith.constant 0 : i32
      %dma_wait3A_28 = tpu.memref_slice %arg3[%add3A, %dma_wait3A_27] : memref<32x64xi32, #tpu.memory_space<hbm>> -> memref<1x64xi32, #tpu.memory_space<hbm>>
      %dma_wait3A_29 = tpu.memref_squeeze %dma_wait3A_28 : memref<1x64xi32, #tpu.memory_space<hbm>> -> memref<64xi32, #tpu.memory_space<hbm>>
      %dma_wait3A_30 = arith.constant 0 : i32
      %dma_wait3A_31 = tpu.memref_slice %arg3[%add3A, %dma_wait3A_30] : memref<32x64xi32, #tpu.memory_space<hbm>> -> memref<1x64xi32, #tpu.memory_space<hbm>>
      %dma_wait3A_32 = tpu.memref_squeeze %dma_wait3A_31 : memref<1x64xi32, #tpu.memory_space<hbm>> -> memref<64xi32, #tpu.memory_space<hbm>>
      tpu.wait_dma2 semaphore(%run_scoped3A : memref<!tpu.dma_semaphore, #tpu.memory_space<semaphore_mem>>) src(%dma_wait3A_32 : memref<64xi32, #tpu.memory_space<hbm>>) dst(%arg6 : memref<64xi32, #tpu.memory_space<vmem>>)
      tpu.yield
    }) : () -> ()
    "tpu.region"() ({
      %run_scoped3A = tpu.sem_alloc : memref<!tpu.dma_semaphore, #tpu.memory_space<semaphore_mem>>
      %dma_start3A_21 = arith.constant 0 : i32
      %dma_start3A_22 = tpu.memref_slice %arg4[%add3A, %dma_start3A_21] : memref<32x64xi32, #tpu.memory_space<hbm>> -> memref<1x64xi32, #tpu.memory_space<hbm>>
      %dma_start3A_23 = tpu.memref_squeeze %dma_start3A_22 : memref<1x64xi32, #tpu.memory_space<hbm>> -> memref<64xi32, #tpu.memory_space<hbm>>
      %dma_start3A_24 = arith.constant 0 : i32
      %dma_start3A_25 = tpu.memref_slice %arg4[%add3A, %dma_start3A_24] : memref<32x64xi32, #tpu.memory_space<hbm>> -> memref<1x64xi32, #tpu.memory_space<hbm>>
      %dma_start3A_26 = tpu.memref_squeeze %dma_start3A_25 : memref<1x64xi32, #tpu.memory_space<hbm>> -> memref<64xi32, #tpu.memory_space<hbm>>
      tpu.enqueue_dma source(%dma_start3A_26 : memref<64xi32, #tpu.memory_space<hbm>>) target(%arg7 : memref<64xi32, #tpu.memory_space<vmem>>) target_semaphore(%run_scoped3A : memref<!tpu.dma_semaphore, #tpu.memory_space<semaphore_mem>>)
      %dma_wait3A_27 = arith.constant 0 : i32
      %dma_wait3A_28 = tpu.memref_slice %arg4[%add3A, %dma_wait3A_27] : memref<32x64xi32, #tpu.memory_space<hbm>> -> memref<1x64xi32, #tpu.memory_space<hbm>>
      %dma_wait3A_29 = tpu.memref_squeeze %dma_wait3A_28 : memref<1x64xi32, #tpu.memory_space<hbm>> -> memref<64xi32, #tpu.memory_space<hbm>>
      %dma_wait3A_30 = arith.constant 0 : i32
      %dma_wait3A_31 = tpu.memref_slice %arg4[%add3A, %dma_wait3A_30] : memref<32x64xi32, #tpu.memory_space<hbm>> -> memref<1x64xi32, #tpu.memory_space<hbm>>
      %dma_wait3A_32 = tpu.memref_squeeze %dma_wait3A_31 : memref<1x64xi32, #tpu.memory_space<hbm>> -> memref<64xi32, #tpu.memory_space<hbm>>
      tpu.wait_dma2 semaphore(%run_scoped3A : memref<!tpu.dma_semaphore, #tpu.memory_space<semaphore_mem>>) src(%dma_wait3A_32 : memref<64xi32, #tpu.memory_space<hbm>>) dst(%arg7 : memref<64xi32, #tpu.memory_space<vmem>>)
      tpu.yield
    }) : () -> ()
    %dma_wait3A = arith.constant 0 : i32
    %dma_wait3A_6 = tpu.memref_slice %arg2[%mul3A_2, %dma_wait3A] : memref<2048x512xi32, #tpu.memory_space<hbm>> -> memref<64x512xi32, #tpu.memory_space<hbm>>
    %dma_wait3A_7 = arith.constant 0 : i32
    %dma_wait3A_8 = tpu.memref_slice %arg2[%mul3A_2, %dma_wait3A_7] : memref<2048x512xi32, #tpu.memory_space<hbm>> -> memref<64x512xi32, #tpu.memory_space<hbm>>
    tpu.wait_dma2 semaphore(%arg9 : memref<!tpu.dma_semaphore, #tpu.memory_space<semaphore_mem>>) src(%dma_wait3A_8 : memref<64x512xi32, #tpu.memory_space<hbm>>) dst(%arg8 : memref<64x512xi32, #tpu.memory_space<vmem>>)
    %dma_start3A_9 = arith.constant 0 : i32
    %dma_start3A_10 = arith.constant 0 : i32
    %dma_start3A_11 = tpu.memref_slice %arg5[%dma_start3A_9, %dma_start3A_10] : memref<6144x512xi32, #tpu.memory_space<hbm>> -> memref<6144x512xi32, #tpu.memory_space<hbm>>
    tpu.enqueue_indirect_dma source(%arg8 : memref<64x512xi32, #tpu.memory_space<vmem>>) target(%dma_start3A_11 : memref<6144x512xi32, #tpu.memory_space<hbm>>) offsets(%arg6 : memref<64xi32, #tpu.memory_space<vmem>>) semaphore(%arg10 : memref<!tpu.dma_semaphore, #tpu.memory_space<semaphore_mem>>)
    %dma_start3A_12 = arith.constant 0 : i32
    %dma_start3A_13 = arith.constant 0 : i32
    %dma_start3A_14 = tpu.memref_slice %arg5[%dma_start3A_12, %dma_start3A_13] : memref<6144x512xi32, #tpu.memory_space<hbm>> -> memref<6144x512xi32, #tpu.memory_space<hbm>>
    tpu.enqueue_indirect_dma source(%arg8 : memref<64x512xi32, #tpu.memory_space<vmem>>) target(%dma_start3A_14 : memref<6144x512xi32, #tpu.memory_space<hbm>>) offsets(%arg7 : memref<64xi32, #tpu.memory_space<vmem>>) semaphore(%arg10 : memref<!tpu.dma_semaphore, #tpu.memory_space<semaphore_mem>>)
    %dma_wait3A_15 = arith.constant 0 : i32
    %dma_wait3A_16 = arith.constant 0 : i32
    %dma_wait3A_17 = tpu.memref_slice %arg5[%dma_wait3A_15, %dma_wait3A_16] : memref<6144x512xi32, #tpu.memory_space<hbm>> -> memref<6144x512xi32, #tpu.memory_space<hbm>>
    tpu.wait_indirect_dma semaphore(%arg10 : memref<!tpu.dma_semaphore, #tpu.memory_space<semaphore_mem>>) src(%arg8 : memref<64x512xi32, #tpu.memory_space<vmem>>) dst(%dma_wait3A_17 : memref<6144x512xi32, #tpu.memory_space<hbm>>)
    %dma_wait3A_18 = arith.constant 0 : i32
    %dma_wait3A_19 = arith.constant 0 : i32
    %dma_wait3A_20 = tpu.memref_slice %arg5[%dma_wait3A_18, %dma_wait3A_19] : memref<6144x512xi32, #tpu.memory_space<hbm>> -> memref<6144x512xi32, #tpu.memory_space<hbm>>
    tpu.wait_indirect_dma semaphore(%arg10 : memref<!tpu.dma_semaphore, #tpu.memory_space<semaphore_mem>>) src(%arg8 : memref<64x512xi32, #tpu.memory_space<vmem>>) dst(%dma_wait3A_20 : memref<6144x512xi32, #tpu.memory_space<hbm>>)
    return
  }
}

module attributes {stable_mosaic.version = 14 : i64} {
  func.func @_gmm_body(%arg0: i32, %arg1: memref<193xi32, #tpu.memory_space<smem>>, %arg2: memref<128x512xi32, #tpu.memory_space<vmem>>, %arg3: memref<16x1024x1024xf32, #tpu.memory_space<any>>, %arg4: memref<1x1x1024xf32, #tpu.memory_space<vmem>>, %arg5: memref<128x512xi32, #tpu.memory_space<vmem>>, %arg6: memref<2x1024x1024xf32, #tpu.memory_space<vmem>>, %arg7: memref<2x4x!tpu.dma_semaphore, #tpu.memory_space<semaphore_mem>>) attributes {dimension_semantics = [#tpu.dimension_semantics<arbitrary>], iteration_bounds = array<i64: 48>, scalar_prefetch = 1 : i64, scratch_operands = 2 : i64, tpu.core_type = #tpu.core_type<tc>, window_params = [{transform_indices = @transform_0, window_bounds = array<i64: 128, 512>}, {}, {transform_indices = @transform_2, window_bounds = array<i64: 1, 1, 1024>}, {transform_indices = @transform_3, window_bounds = array<i64: 128, 512>}]} {
    %get3A = arith.constant 0 : index
    %get3A_0 = memref.load %arg1[%get3A] : memref<193xi32, #tpu.memory_space<smem>>
    %lt3A = arith.cmpi slt, %arg0, %get3A_0 : i32
    %convert_element_type3A = arith.extui %lt3A : i1 to i32
    %cond3A = arith.constant 0 : i32
    %cond3A_1 = arith.cmpi ne, %convert_element_type3A, %cond3A : i32
    scf.if %cond3A_1 {
      %add3A = arith.constant 1 : i32
      %add3A_2 = arith.addi %add3A, %arg0 : i32
      %get3A_3 = arith.index_cast %add3A_2 : i32 to index
      %get3A_4 = memref.load %arg1[%get3A_3] : memref<193xi32, #tpu.memory_space<smem>>
      %add3A_5 = arith.constant 49 : i32
      %add3A_6 = arith.addi %add3A_5, %arg0 : i32
      %get3A_7 = arith.index_cast %add3A_6 : i32 to index
      %get3A_8 = memref.load %arg1[%get3A_7] : memref<193xi32, #tpu.memory_space<smem>>
      %add3A_9 = arith.constant 97 : i32
      %add3A_10 = arith.addi %add3A_9, %arg0 : i32
      %get3A_11 = arith.index_cast %add3A_10 : i32 to index
      %get3A_12 = memref.load %arg1[%get3A_11] : memref<193xi32, #tpu.memory_space<smem>>
      %add3A_13 = arith.constant 145 : i32
      %add3A_14 = arith.addi %add3A_13, %arg0 : i32
      %get3A_15 = arith.index_cast %add3A_14 : i32 to index
      %get3A_16 = memref.load %arg1[%get3A_15] : memref<193xi32, #tpu.memory_space<smem>>
      %eq3A = arith.constant 0 : i32
      %eq3A_17 = arith.cmpi eq, %arg0, %eq3A : i32
      %get3A_18 = arith.index_cast %arg0 : i32 to index
      %get3A_19 = memref.load %arg1[%get3A_18] : memref<193xi32, #tpu.memory_space<smem>>
      %ne3A = arith.cmpi ne, %get3A_4, %get3A_19 : i32
      %or3A = arith.ori %eq3A_17, %ne3A : i1
      %eq3A_20 = arith.constant 0 : i32
      %eq3A_21 = arith.cmpi eq, %arg0, %eq3A_20 : i32
      %convert_element_type3A_22 = arith.extui %eq3A_21 : i1 to i32
      %cond3A_23 = arith.constant 0 : i32
      %cond3A_24 = arith.cmpi ne, %convert_element_type3A_22, %cond3A_23 : i32
      scf.if %cond3A_24 {
        %dma_start3A = arith.constant 0 : i32
        %dma_start3A_82 = arith.constant 0 : i32
        %dma_start3A_83 = arith.constant 0 : i32
        %dma_start3A_84 = tpu.memref_slice %arg7[%dma_start3A_82, %dma_start3A_83] : memref<2x4x!tpu.dma_semaphore, #tpu.memory_space<semaphore_mem>> -> memref<1x1x!tpu.dma_semaphore, #tpu.memory_space<semaphore_mem>>
        %dma_start3A_85 = tpu.memref_squeeze %dma_start3A_84 : memref<1x1x!tpu.dma_semaphore, #tpu.memory_space<semaphore_mem>> -> memref<!tpu.dma_semaphore, #tpu.memory_space<semaphore_mem>>
        %dma_start3A_86 = arith.constant 0 : i32
        %dma_start3A_87 = arith.constant 0 : i32
        %dma_start3A_88 = tpu.memref_slice %arg6[%dma_start3A, %dma_start3A_86, %dma_start3A_87] : memref<2x1024x1024xf32, #tpu.memory_space<vmem>> -> memref<1x256x1024xf32, #tpu.memory_space<vmem>>
        %dma_start3A_89 = tpu.memref_squeeze %dma_start3A_88 : memref<1x256x1024xf32, #tpu.memory_space<vmem>> -> memref<256x1024xf32, #tpu.memory_space<vmem>>
        %dma_start3A_90 = arith.constant 0 : i32
        %dma_start3A_91 = arith.constant 0 : i32
        %dma_start3A_92 = tpu.memref_slice %arg3[%get3A_4, %dma_start3A_90, %dma_start3A_91] : memref<16x1024x1024xf32, #tpu.memory_space<any>> -> memref<1x256x1024xf32, #tpu.memory_space<any>>
        %dma_start3A_93 = tpu.memref_squeeze %dma_start3A_92 : memref<1x256x1024xf32, #tpu.memory_space<any>> -> memref<256x1024xf32, #tpu.memory_space<any>>
        tpu.enqueue_dma source(%dma_start3A_93 : memref<256x1024xf32, #tpu.memory_space<any>>) target(%dma_start3A_89 : memref<256x1024xf32, #tpu.memory_space<vmem>>) target_semaphore(%dma_start3A_85 : memref<!tpu.dma_semaphore, #tpu.memory_space<semaphore_mem>>)
        %dma_start3A_94 = arith.constant 0 : i32
        %dma_start3A_95 = arith.constant 0 : i32
        %dma_start3A_96 = arith.constant 1 : i32
        %dma_start3A_97 = tpu.memref_slice %arg7[%dma_start3A_95, %dma_start3A_96] : memref<2x4x!tpu.dma_semaphore, #tpu.memory_space<semaphore_mem>> -> memref<1x1x!tpu.dma_semaphore, #tpu.memory_space<semaphore_mem>>
        %dma_start3A_98 = tpu.memref_squeeze %dma_start3A_97 : memref<1x1x!tpu.dma_semaphore, #tpu.memory_space<semaphore_mem>> -> memref<!tpu.dma_semaphore, #tpu.memory_space<semaphore_mem>>
        %dma_start3A_99 = arith.constant 256 : i32
        %dma_start3A_100 = arith.constant 0 : i32
        %dma_start3A_101 = tpu.memref_slice %arg6[%dma_start3A_94, %dma_start3A_99, %dma_start3A_100] : memref<2x1024x1024xf32, #tpu.memory_space<vmem>> -> memref<1x256x1024xf32, #tpu.memory_space<vmem>>
        %dma_start3A_102 = tpu.memref_squeeze %dma_start3A_101 : memref<1x256x1024xf32, #tpu.memory_space<vmem>> -> memref<256x1024xf32, #tpu.memory_space<vmem>>
        %dma_start3A_103 = arith.constant 256 : i32
        %dma_start3A_104 = arith.constant 0 : i32
        %dma_start3A_105 = tpu.memref_slice %arg3[%get3A_4, %dma_start3A_103, %dma_start3A_104] : memref<16x1024x1024xf32, #tpu.memory_space<any>> -> memref<1x256x1024xf32, #tpu.memory_space<any>>
        %dma_start3A_106 = tpu.memref_squeeze %dma_start3A_105 : memref<1x256x1024xf32, #tpu.memory_space<any>> -> memref<256x1024xf32, #tpu.memory_space<any>>
        tpu.enqueue_dma source(%dma_start3A_106 : memref<256x1024xf32, #tpu.memory_space<any>>) target(%dma_start3A_102 : memref<256x1024xf32, #tpu.memory_space<vmem>>) target_semaphore(%dma_start3A_98 : memref<!tpu.dma_semaphore, #tpu.memory_space<semaphore_mem>>)
        %dma_start3A_107 = arith.constant 0 : i32
        %dma_start3A_108 = arith.constant 0 : i32
        %dma_start3A_109 = arith.constant 2 : i32
        %dma_start3A_110 = tpu.memref_slice %arg7[%dma_start3A_108, %dma_start3A_109] : memref<2x4x!tpu.dma_semaphore, #tpu.memory_space<semaphore_mem>> -> memref<1x1x!tpu.dma_semaphore, #tpu.memory_space<semaphore_mem>>
        %dma_start3A_111 = tpu.memref_squeeze %dma_start3A_110 : memref<1x1x!tpu.dma_semaphore, #tpu.memory_space<semaphore_mem>> -> memref<!tpu.dma_semaphore, #tpu.memory_space<semaphore_mem>>
        %dma_start3A_112 = arith.constant 512 : i32
        %dma_start3A_113 = arith.constant 0 : i32
        %dma_start3A_114 = tpu.memref_slice %arg6[%dma_start3A_107, %dma_start3A_112, %dma_start3A_113] : memref<2x1024x1024xf32, #tpu.memory_space<vmem>> -> memref<1x256x1024xf32, #tpu.memory_space<vmem>>
        %dma_start3A_115 = tpu.memref_squeeze %dma_start3A_114 : memref<1x256x1024xf32, #tpu.memory_space<vmem>> -> memref<256x1024xf32, #tpu.memory_space<vmem>>
        %dma_start3A_116 = arith.constant 512 : i32
        %dma_start3A_117 = arith.constant 0 : i32
        %dma_start3A_118 = tpu.memref_slice %arg3[%get3A_4, %dma_start3A_116, %dma_start3A_117] : memref<16x1024x1024xf32, #tpu.memory_space<any>> -> memref<1x256x1024xf32, #tpu.memory_space<any>>
        %dma_start3A_119 = tpu.memref_squeeze %dma_start3A_118 : memref<1x256x1024xf32, #tpu.memory_space<any>> -> memref<256x1024xf32, #tpu.memory_space<any>>
        tpu.enqueue_dma source(%dma_start3A_119 : memref<256x1024xf32, #tpu.memory_space<any>>) target(%dma_start3A_115 : memref<256x1024xf32, #tpu.memory_space<vmem>>) target_semaphore(%dma_start3A_111 : memref<!tpu.dma_semaphore, #tpu.memory_space<semaphore_mem>>)
        %dma_start3A_120 = arith.constant 0 : i32
        %dma_start3A_121 = arith.constant 0 : i32
        %dma_start3A_122 = arith.constant 3 : i32
        %dma_start3A_123 = tpu.memref_slice %arg7[%dma_start3A_121, %dma_start3A_122] : memref<2x4x!tpu.dma_semaphore, #tpu.memory_space<semaphore_mem>> -> memref<1x1x!tpu.dma_semaphore, #tpu.memory_space<semaphore_mem>>
        %dma_start3A_124 = tpu.memref_squeeze %dma_start3A_123 : memref<1x1x!tpu.dma_semaphore, #tpu.memory_space<semaphore_mem>> -> memref<!tpu.dma_semaphore, #tpu.memory_space<semaphore_mem>>
        %dma_start3A_125 = arith.constant 768 : i32
        %dma_start3A_126 = arith.constant 0 : i32
        %dma_start3A_127 = tpu.memref_slice %arg6[%dma_start3A_120, %dma_start3A_125, %dma_start3A_126] : memref<2x1024x1024xf32, #tpu.memory_space<vmem>> -> memref<1x256x1024xf32, #tpu.memory_space<vmem>>
        %dma_start3A_128 = tpu.memref_squeeze %dma_start3A_127 : memref<1x256x1024xf32, #tpu.memory_space<vmem>> -> memref<256x1024xf32, #tpu.memory_space<vmem>>
        %dma_start3A_129 = arith.constant 768 : i32
        %dma_start3A_130 = arith.constant 0 : i32
        %dma_start3A_131 = tpu.memref_slice %arg3[%get3A_4, %dma_start3A_129, %dma_start3A_130] : memref<16x1024x1024xf32, #tpu.memory_space<any>> -> memref<1x256x1024xf32, #tpu.memory_space<any>>
        %dma_start3A_132 = tpu.memref_squeeze %dma_start3A_131 : memref<1x256x1024xf32, #tpu.memory_space<any>> -> memref<256x1024xf32, #tpu.memory_space<any>>
        tpu.enqueue_dma source(%dma_start3A_132 : memref<256x1024xf32, #tpu.memory_space<any>>) target(%dma_start3A_128 : memref<256x1024xf32, #tpu.memory_space<vmem>>) target_semaphore(%dma_start3A_124 : memref<!tpu.dma_semaphore, #tpu.memory_space<semaphore_mem>>)
      } else {
      }
      %eq3A_25 = arith.constant 1 : i32
      %eq3A_26 = arith.cmpi eq, %get3A_16, %eq3A_25 : i32
      %and3A = arith.andi %or3A, %eq3A_26 : i1
      %convert_element_type3A_27 = arith.extui %and3A : i1 to i32
      %cond3A_28 = arith.constant 0 : i32
      %cond3A_29 = arith.cmpi ne, %convert_element_type3A_27, %cond3A_28 : i32
      scf.if %cond3A_29 {
        %sub3A = arith.constant 1 : i32
        %sub3A_82 = arith.subi %sub3A, %get3A_8 : i32
        %dma_start3A = arith.constant 0 : i32
        %dma_start3A_83 = tpu.memref_slice %arg7[%sub3A_82, %dma_start3A] : memref<2x4x!tpu.dma_semaphore, #tpu.memory_space<semaphore_mem>> -> memref<1x1x!tpu.dma_semaphore, #tpu.memory_space<semaphore_mem>>
        %dma_start3A_84 = tpu.memref_squeeze %dma_start3A_83 : memref<1x1x!tpu.dma_semaphore, #tpu.memory_space<semaphore_mem>> -> memref<!tpu.dma_semaphore, #tpu.memory_space<semaphore_mem>>
        %dma_start3A_85 = arith.constant 0 : i32
        %dma_start3A_86 = arith.constant 0 : i32
        %dma_start3A_87 = tpu.memref_slice %arg6[%sub3A_82, %dma_start3A_85, %dma_start3A_86] : memref<2x1024x1024xf32, #tpu.memory_space<vmem>> -> memref<1x256x1024xf32, #tpu.memory_space<vmem>>
        %dma_start3A_88 = tpu.memref_squeeze %dma_start3A_87 : memref<1x256x1024xf32, #tpu.memory_space<vmem>> -> memref<256x1024xf32, #tpu.memory_space<vmem>>
        %dma_start3A_89 = arith.constant 0 : i32
        %dma_start3A_90 = arith.constant 0 : i32
        %dma_start3A_91 = tpu.memref_slice %arg3[%get3A_12, %dma_start3A_89, %dma_start3A_90] : memref<16x1024x1024xf32, #tpu.memory_space<any>> -> memref<1x256x1024xf32, #tpu.memory_space<any>>
        %dma_start3A_92 = tpu.memref_squeeze %dma_start3A_91 : memref<1x256x1024xf32, #tpu.memory_space<any>> -> memref<256x1024xf32, #tpu.memory_space<any>>
        tpu.enqueue_dma source(%dma_start3A_92 : memref<256x1024xf32, #tpu.memory_space<any>>) target(%dma_start3A_88 : memref<256x1024xf32, #tpu.memory_space<vmem>>) target_semaphore(%dma_start3A_84 : memref<!tpu.dma_semaphore, #tpu.memory_space<semaphore_mem>>)
        %dma_start3A_93 = arith.constant 1 : i32
        %dma_start3A_94 = tpu.memref_slice %arg7[%sub3A_82, %dma_start3A_93] : memref<2x4x!tpu.dma_semaphore, #tpu.memory_space<semaphore_mem>> -> memref<1x1x!tpu.dma_semaphore, #tpu.memory_space<semaphore_mem>>
        %dma_start3A_95 = tpu.memref_squeeze %dma_start3A_94 : memref<1x1x!tpu.dma_semaphore, #tpu.memory_space<semaphore_mem>> -> memref<!tpu.dma_semaphore, #tpu.memory_space<semaphore_mem>>
        %dma_start3A_96 = arith.constant 256 : i32
        %dma_start3A_97 = arith.constant 0 : i32
        %dma_start3A_98 = tpu.memref_slice %arg6[%sub3A_82, %dma_start3A_96, %dma_start3A_97] : memref<2x1024x1024xf32, #tpu.memory_space<vmem>> -> memref<1x256x1024xf32, #tpu.memory_space<vmem>>
        %dma_start3A_99 = tpu.memref_squeeze %dma_start3A_98 : memref<1x256x1024xf32, #tpu.memory_space<vmem>> -> memref<256x1024xf32, #tpu.memory_space<vmem>>
        %dma_start3A_100 = arith.constant 256 : i32
        %dma_start3A_101 = arith.constant 0 : i32
        %dma_start3A_102 = tpu.memref_slice %arg3[%get3A_12, %dma_start3A_100, %dma_start3A_101] : memref<16x1024x1024xf32, #tpu.memory_space<any>> -> memref<1x256x1024xf32, #tpu.memory_space<any>>
        %dma_start3A_103 = tpu.memref_squeeze %dma_start3A_102 : memref<1x256x1024xf32, #tpu.memory_space<any>> -> memref<256x1024xf32, #tpu.memory_space<any>>
        tpu.enqueue_dma source(%dma_start3A_103 : memref<256x1024xf32, #tpu.memory_space<any>>) target(%dma_start3A_99 : memref<256x1024xf32, #tpu.memory_space<vmem>>) target_semaphore(%dma_start3A_95 : memref<!tpu.dma_semaphore, #tpu.memory_space<semaphore_mem>>)
        %dma_start3A_104 = arith.constant 2 : i32
        %dma_start3A_105 = tpu.memref_slice %arg7[%sub3A_82, %dma_start3A_104] : memref<2x4x!tpu.dma_semaphore, #tpu.memory_space<semaphore_mem>> -> memref<1x1x!tpu.dma_semaphore, #tpu.memory_space<semaphore_mem>>
        %dma_start3A_106 = tpu.memref_squeeze %dma_start3A_105 : memref<1x1x!tpu.dma_semaphore, #tpu.memory_space<semaphore_mem>> -> memref<!tpu.dma_semaphore, #tpu.memory_space<semaphore_mem>>
        %dma_start3A_107 = arith.constant 512 : i32
        %dma_start3A_108 = arith.constant 0 : i32
        %dma_start3A_109 = tpu.memref_slice %arg6[%sub3A_82, %dma_start3A_107, %dma_start3A_108] : memref<2x1024x1024xf32, #tpu.memory_space<vmem>> -> memref<1x256x1024xf32, #tpu.memory_space<vmem>>
        %dma_start3A_110 = tpu.memref_squeeze %dma_start3A_109 : memref<1x256x1024xf32, #tpu.memory_space<vmem>> -> memref<256x1024xf32, #tpu.memory_space<vmem>>
        %dma_start3A_111 = arith.constant 512 : i32
        %dma_start3A_112 = arith.constant 0 : i32
        %dma_start3A_113 = tpu.memref_slice %arg3[%get3A_12, %dma_start3A_111, %dma_start3A_112] : memref<16x1024x1024xf32, #tpu.memory_space<any>> -> memref<1x256x1024xf32, #tpu.memory_space<any>>
        %dma_start3A_114 = tpu.memref_squeeze %dma_start3A_113 : memref<1x256x1024xf32, #tpu.memory_space<any>> -> memref<256x1024xf32, #tpu.memory_space<any>>
        tpu.enqueue_dma source(%dma_start3A_114 : memref<256x1024xf32, #tpu.memory_space<any>>) target(%dma_start3A_110 : memref<256x1024xf32, #tpu.memory_space<vmem>>) target_semaphore(%dma_start3A_106 : memref<!tpu.dma_semaphore, #tpu.memory_space<semaphore_mem>>)
        %dma_start3A_115 = arith.constant 3 : i32
        %dma_start3A_116 = tpu.memref_slice %arg7[%sub3A_82, %dma_start3A_115] : memref<2x4x!tpu.dma_semaphore, #tpu.memory_space<semaphore_mem>> -> memref<1x1x!tpu.dma_semaphore, #tpu.memory_space<semaphore_mem>>
        %dma_start3A_117 = tpu.memref_squeeze %dma_start3A_116 : memref<1x1x!tpu.dma_semaphore, #tpu.memory_space<semaphore_mem>> -> memref<!tpu.dma_semaphore, #tpu.memory_space<semaphore_mem>>
        %dma_start3A_118 = arith.constant 768 : i32
        %dma_start3A_119 = arith.constant 0 : i32
        %dma_start3A_120 = tpu.memref_slice %arg6[%sub3A_82, %dma_start3A_118, %dma_start3A_119] : memref<2x1024x1024xf32, #tpu.memory_space<vmem>> -> memref<1x256x1024xf32, #tpu.memory_space<vmem>>
        %dma_start3A_121 = tpu.memref_squeeze %dma_start3A_120 : memref<1x256x1024xf32, #tpu.memory_space<vmem>> -> memref<256x1024xf32, #tpu.memory_space<vmem>>
        %dma_start3A_122 = arith.constant 768 : i32
        %dma_start3A_123 = arith.constant 0 : i32
        %dma_start3A_124 = tpu.memref_slice %arg3[%get3A_12, %dma_start3A_122, %dma_start3A_123] : memref<16x1024x1024xf32, #tpu.memory_space<any>> -> memref<1x256x1024xf32, #tpu.memory_space<any>>
        %dma_start3A_125 = tpu.memref_squeeze %dma_start3A_124 : memref<1x256x1024xf32, #tpu.memory_space<any>> -> memref<256x1024xf32, #tpu.memory_space<any>>
        tpu.enqueue_dma source(%dma_start3A_125 : memref<256x1024xf32, #tpu.memory_space<any>>) target(%dma_start3A_121 : memref<256x1024xf32, #tpu.memory_space<vmem>>) target_semaphore(%dma_start3A_117 : memref<!tpu.dma_semaphore, #tpu.memory_space<semaphore_mem>>)
      } else {
      }
      %convert_element_type3A_30 = arith.extui %or3A : i1 to i32
      %cond3A_31 = arith.constant 0 : i32
      %cond3A_32 = arith.cmpi ne, %convert_element_type3A_30, %cond3A_31 : i32
      scf.if %cond3A_32 {
        %dma_wait3A = arith.constant 0 : i32
        %dma_wait3A_82 = tpu.memref_slice %arg7[%get3A_8, %dma_wait3A] : memref<2x4x!tpu.dma_semaphore, #tpu.memory_space<semaphore_mem>> -> memref<1x1x!tpu.dma_semaphore, #tpu.memory_space<semaphore_mem>>
        %dma_wait3A_83 = tpu.memref_squeeze %dma_wait3A_82 : memref<1x1x!tpu.dma_semaphore, #tpu.memory_space<semaphore_mem>> -> memref<!tpu.dma_semaphore, #tpu.memory_space<semaphore_mem>>
        %dma_wait3A_84 = arith.constant 0 : i32
        %dma_wait3A_85 = arith.constant 0 : i32
        %dma_wait3A_86 = tpu.memref_slice %arg6[%get3A_8, %dma_wait3A_84, %dma_wait3A_85] : memref<2x1024x1024xf32, #tpu.memory_space<vmem>> -> memref<1x256x1024xf32, #tpu.memory_space<vmem>>
        %dma_wait3A_87 = tpu.memref_squeeze %dma_wait3A_86 : memref<1x256x1024xf32, #tpu.memory_space<vmem>> -> memref<256x1024xf32, #tpu.memory_space<vmem>>
        %dma_wait3A_88 = arith.constant 0 : i32
        %dma_wait3A_89 = arith.constant 0 : i32
        %dma_wait3A_90 = tpu.memref_slice %arg3[%get3A_4, %dma_wait3A_88, %dma_wait3A_89] : memref<16x1024x1024xf32, #tpu.memory_space<any>> -> memref<1x256x1024xf32, #tpu.memory_space<any>>
        %dma_wait3A_91 = tpu.memref_squeeze %dma_wait3A_90 : memref<1x256x1024xf32, #tpu.memory_space<any>> -> memref<256x1024xf32, #tpu.memory_space<any>>
        tpu.wait_dma2 semaphore(%dma_wait3A_83 : memref<!tpu.dma_semaphore, #tpu.memory_space<semaphore_mem>>) src(%dma_wait3A_91 : memref<256x1024xf32, #tpu.memory_space<any>>) dst(%dma_wait3A_87 : memref<256x1024xf32, #tpu.memory_space<vmem>>)
        %dma_wait3A_92 = arith.constant 1 : i32
        %dma_wait3A_93 = tpu.memref_slice %arg7[%get3A_8, %dma_wait3A_92] : memref<2x4x!tpu.dma_semaphore, #tpu.memory_space<semaphore_mem>> -> memref<1x1x!tpu.dma_semaphore, #tpu.memory_space<semaphore_mem>>
        %dma_wait3A_94 = tpu.memref_squeeze %dma_wait3A_93 : memref<1x1x!tpu.dma_semaphore, #tpu.memory_space<semaphore_mem>> -> memref<!tpu.dma_semaphore, #tpu.memory_space<semaphore_mem>>
        %dma_wait3A_95 = arith.constant 256 : i32
        %dma_wait3A_96 = arith.constant 0 : i32
        %dma_wait3A_97 = tpu.memref_slice %arg6[%get3A_8, %dma_wait3A_95, %dma_wait3A_96] : memref<2x1024x1024xf32, #tpu.memory_space<vmem>> -> memref<1x256x1024xf32, #tpu.memory_space<vmem>>
        %dma_wait3A_98 = tpu.memref_squeeze %dma_wait3A_97 : memref<1x256x1024xf32, #tpu.memory_space<vmem>> -> memref<256x1024xf32, #tpu.memory_space<vmem>>
        %dma_wait3A_99 = arith.constant 256 : i32
        %dma_wait3A_100 = arith.constant 0 : i32
        %dma_wait3A_101 = tpu.memref_slice %arg3[%get3A_4, %dma_wait3A_99, %dma_wait3A_100] : memref<16x1024x1024xf32, #tpu.memory_space<any>> -> memref<1x256x1024xf32, #tpu.memory_space<any>>
        %dma_wait3A_102 = tpu.memref_squeeze %dma_wait3A_101 : memref<1x256x1024xf32, #tpu.memory_space<any>> -> memref<256x1024xf32, #tpu.memory_space<any>>
        tpu.wait_dma2 semaphore(%dma_wait3A_94 : memref<!tpu.dma_semaphore, #tpu.memory_space<semaphore_mem>>) src(%dma_wait3A_102 : memref<256x1024xf32, #tpu.memory_space<any>>) dst(%dma_wait3A_98 : memref<256x1024xf32, #tpu.memory_space<vmem>>)
        %dma_wait3A_103 = arith.constant 2 : i32
        %dma_wait3A_104 = tpu.memref_slice %arg7[%get3A_8, %dma_wait3A_103] : memref<2x4x!tpu.dma_semaphore, #tpu.memory_space<semaphore_mem>> -> memref<1x1x!tpu.dma_semaphore, #tpu.memory_space<semaphore_mem>>
        %dma_wait3A_105 = tpu.memref_squeeze %dma_wait3A_104 : memref<1x1x!tpu.dma_semaphore, #tpu.memory_space<semaphore_mem>> -> memref<!tpu.dma_semaphore, #tpu.memory_space<semaphore_mem>>
        %dma_wait3A_106 = arith.constant 512 : i32
        %dma_wait3A_107 = arith.constant 0 : i32
        %dma_wait3A_108 = tpu.memref_slice %arg6[%get3A_8, %dma_wait3A_106, %dma_wait3A_107] : memref<2x1024x1024xf32, #tpu.memory_space<vmem>> -> memref<1x256x1024xf32, #tpu.memory_space<vmem>>
        %dma_wait3A_109 = tpu.memref_squeeze %dma_wait3A_108 : memref<1x256x1024xf32, #tpu.memory_space<vmem>> -> memref<256x1024xf32, #tpu.memory_space<vmem>>
        %dma_wait3A_110 = arith.constant 512 : i32
        %dma_wait3A_111 = arith.constant 0 : i32
        %dma_wait3A_112 = tpu.memref_slice %arg3[%get3A_4, %dma_wait3A_110, %dma_wait3A_111] : memref<16x1024x1024xf32, #tpu.memory_space<any>> -> memref<1x256x1024xf32, #tpu.memory_space<any>>
        %dma_wait3A_113 = tpu.memref_squeeze %dma_wait3A_112 : memref<1x256x1024xf32, #tpu.memory_space<any>> -> memref<256x1024xf32, #tpu.memory_space<any>>
        tpu.wait_dma2 semaphore(%dma_wait3A_105 : memref<!tpu.dma_semaphore, #tpu.memory_space<semaphore_mem>>) src(%dma_wait3A_113 : memref<256x1024xf32, #tpu.memory_space<any>>) dst(%dma_wait3A_109 : memref<256x1024xf32, #tpu.memory_space<vmem>>)
        %dma_wait3A_114 = arith.constant 3 : i32
        %dma_wait3A_115 = tpu.memref_slice %arg7[%get3A_8, %dma_wait3A_114] : memref<2x4x!tpu.dma_semaphore, #tpu.memory_space<semaphore_mem>> -> memref<1x1x!tpu.dma_semaphore, #tpu.memory_space<semaphore_mem>>
        %dma_wait3A_116 = tpu.memref_squeeze %dma_wait3A_115 : memref<1x1x!tpu.dma_semaphore, #tpu.memory_space<semaphore_mem>> -> memref<!tpu.dma_semaphore, #tpu.memory_space<semaphore_mem>>
        %dma_wait3A_117 = arith.constant 768 : i32
        %dma_wait3A_118 = arith.constant 0 : i32
        %dma_wait3A_119 = tpu.memref_slice %arg6[%get3A_8, %dma_wait3A_117, %dma_wait3A_118] : memref<2x1024x1024xf32, #tpu.memory_space<vmem>> -> memref<1x256x1024xf32, #tpu.memory_space<vmem>>
        %dma_wait3A_120 = tpu.memref_squeeze %dma_wait3A_119 : memref<1x256x1024xf32, #tpu.memory_space<vmem>> -> memref<256x1024xf32, #tpu.memory_space<vmem>>
        %dma_wait3A_121 = arith.constant 768 : i32
        %dma_wait3A_122 = arith.constant 0 : i32
        %dma_wait3A_123 = tpu.memref_slice %arg3[%get3A_4, %dma_wait3A_121, %dma_wait3A_122] : memref<16x1024x1024xf32, #tpu.memory_space<any>> -> memref<1x256x1024xf32, #tpu.memory_space<any>>
        %dma_wait3A_124 = tpu.memref_squeeze %dma_wait3A_123 : memref<1x256x1024xf32, #tpu.memory_space<any>> -> memref<256x1024xf32, #tpu.memory_space<any>>
        tpu.wait_dma2 semaphore(%dma_wait3A_116 : memref<!tpu.dma_semaphore, #tpu.memory_space<semaphore_mem>>) src(%dma_wait3A_124 : memref<256x1024xf32, #tpu.memory_space<any>>) dst(%dma_wait3A_120 : memref<256x1024xf32, #tpu.memory_space<vmem>>)
      } else {
      }
      %get3A_33 = arith.constant 0 : index
      %get3A_34 = arith.constant 0 : index
      %get3A_35 = vector.load %arg2[%get3A_33, %get3A_34] : memref<128x512xi32, #tpu.memory_space<vmem>>, vector<128x512xi32>
      %bitcast_convert_type3A = tpu.bitcast %get3A_35 : vector<128x512xi32> -> vector<128x512xi32>
      %shift_left3A = arith.constant 16 : i32
      %shift_left3A_36 = vector.broadcast %shift_left3A : i32 to vector<128x512xi32>
      %shift_left3A_37 = arith.shli %bitcast_convert_type3A, %shift_left3A_36 : vector<128x512xi32>
      %bitcast_convert_type3A_38 = tpu.bitcast %shift_left3A_37 : vector<128x512xi32> -> vector<128x512xf32>
      %and3A_39 = arith.constant -65536 : i32
      %and3A_40 = vector.broadcast %and3A_39 : i32 to vector<128x512xi32>
      %and3A_41 = arith.andi %bitcast_convert_type3A, %and3A_40 : vector<128x512xi32>
      %bitcast_convert_type3A_42 = tpu.bitcast %and3A_41 : vector<128x512xi32> -> vector<128x512xf32>
      %concatenate3A = tpu.concatenate %bitcast_convert_type3A_38, %bitcast_convert_type3A_42 in 1 : vector<128x512xf32>, vector<128x512xf32> -> vector<128x1024xf32>
      %get3A_43 = arith.index_cast %get3A_8 : i32 to index
      %get3A_44 = arith.constant 0 : index
      %get3A_45 = arith.constant 0 : index
      %get3A_46 = vector.load %arg6[%get3A_43, %get3A_44, %get3A_45] : memref<2x1024x1024xf32, #tpu.memory_space<vmem>>, vector<1x1024x1024xf32>
      %get3A_47 = vector.shape_cast %get3A_46 : vector<1x1024x1024xf32> to vector<1024x1024xf32>
      %dot_general3A = arith.constant dense<0.000000e+00> : vector<128x1024xf32>
      %dot_general3A_48 = tpu.matmul %concatenate3A, %get3A_47, %dot_general3A {dimension_numbers = #tpu.dot_dimension_numbers<[1], [1], [0], [0], [0, 0, 1, 0], [], []>, transpose_lhs_hint = false} : vector<128x1024xf32>, vector<1024x1024xf32>, vector<128x1024xf32> -> vector<128x1024xf32>
      %get3A_49 = arith.constant 0 : index
      %get3A_50 = arith.constant 0 : index
      %get3A_51 = arith.constant 0 : index
      %get3A_52 = vector.load %arg4[%get3A_49, %get3A_50, %get3A_51] : memref<1x1x1024xf32, #tpu.memory_space<vmem>>, vector<1x1x1024xf32>
      %get3A_53 = vector.shape_cast %get3A_52 : vector<1x1x1024xf32> to vector<1x1024xf32>
      %add3A_54 = vector.broadcast %get3A_53 : vector<1x1024xf32> to vector<128x1024xf32>
      %add3A_55 = arith.addf %dot_general3A_48, %add3A_54 : vector<128x1024xf32>
      %neg3A = arith.constant 0.000000e+00 : f32
      %neg3A_56 = vector.broadcast %neg3A : f32 to vector<128x1024xf32>
      %neg3A_57 = arith.subf %neg3A_56, %add3A_55 : vector<128x1024xf32>
      %exp3A = math.exp %neg3A_57 : vector<128x1024xf32>
      %add3A_58 = arith.constant 1.000000e+00 : f32
      %add3A_59 = vector.broadcast %add3A_58 : f32 to vector<128x1024xf32>
      %add3A_60 = arith.addf %add3A_59, %exp3A : vector<128x1024xf32>
      %div3A = arith.divf %add3A_55, %add3A_60 : vector<128x1024xf32>
      %bitcast_convert_type3A_61 = tpu.bitcast %div3A : vector<128x1024xf32> -> vector<128x1024xi32>
      %add3A_62 = arith.constant 32767 : i32
      %add3A_63 = vector.broadcast %add3A_62 : i32 to vector<128x1024xi32>
      %add3A_64 = arith.addi %bitcast_convert_type3A_61, %add3A_63 : vector<128x1024xi32>
      %shift_right_logical3A = arith.constant 16 : i32
      %shift_right_logical3A_65 = vector.broadcast %shift_right_logical3A : i32 to vector<128x1024xi32>
      %shift_right_logical3A_66 = arith.shrui %bitcast_convert_type3A_61, %shift_right_logical3A_65 : vector<128x1024xi32>
      %and3A_67 = arith.constant 1 : i32
      %and3A_68 = vector.broadcast %and3A_67 : i32 to vector<128x1024xi32>
      %and3A_69 = arith.andi %shift_right_logical3A_66, %and3A_68 : vector<128x1024xi32>
      %add3A_70 = arith.addi %add3A_64, %and3A_69 : vector<128x1024xi32>
      %shift_right_logical3A_71 = arith.constant 16 : i32
      %shift_right_logical3A_72 = vector.broadcast %shift_right_logical3A_71 : i32 to vector<128x1024xi32>
      %shift_right_logical3A_73 = arith.shrui %add3A_70, %shift_right_logical3A_72 : vector<128x1024xi32>
      %slice3A = vector.extract_strided_slice %shift_right_logical3A_73 {offsets = [0, 0], sizes = [128, 512], strides = [1, 1]} : vector<128x1024xi32> to vector<128x512xi32>
      %slice3A_74 = vector.extract_strided_slice %shift_right_logical3A_73 {offsets = [0, 512], sizes = [128, 512], strides = [1, 1]} : vector<128x1024xi32> to vector<128x512xi32>
      %shift_left3A_75 = arith.constant 16 : i32
      %shift_left3A_76 = vector.broadcast %shift_left3A_75 : i32 to vector<128x512xi32>
      %shift_left3A_77 = arith.shli %slice3A_74, %shift_left3A_76 : vector<128x512xi32>
      %or3A_78 = arith.ori %slice3A, %shift_left3A_77 : vector<128x512xi32>
      %bitcast_convert_type3A_79 = tpu.bitcast %or3A_78 : vector<128x512xi32> -> vector<128x512xi32>
      %swap3A = arith.constant 0 : index
      %swap3A_80 = arith.constant 0 : index
      %swap3A_81 = vector.load %arg5[%swap3A, %swap3A_80] : memref<128x512xi32, #tpu.memory_space<vmem>>, vector<128x512xi32>
      tpu.vector_store %arg5[%swap3A, %swap3A_80], %bitcast_convert_type3A_79 {strides = array<i32>} : memref<128x512xi32, #tpu.memory_space<vmem>>, vector<128x512xi32>,
    } else {
    }
    return
  }
  func.func @transform_0(%arg0: i32, %arg1: memref<193xi32, #tpu.memory_space<smem>>) -> (i32, i32) {
    %get3A = arith.constant 0 : index
    %get3A_0 = memref.load %arg1[%get3A] : memref<193xi32, #tpu.memory_space<smem>>
    %sub3A = arith.constant 1 : i32
    %sub3A_1 = arith.subi %get3A_0, %sub3A : i32
    %min3A = arith.minsi %arg0, %sub3A_1 : i32
    %c0_i32 = arith.constant 0 : i32
    %c0_i32_2 = arith.constant 0 : i32
    return %min3A, %c0_i32 : i32, i32
  }
  func.func @transform_2(%arg0: i32, %arg1: memref<193xi32, #tpu.memory_space<smem>>) -> (i32, i32, i32) {
    %add3A = arith.constant 1 : i32
    %add3A_0 = arith.addi %add3A, %arg0 : i32
    %get3A = arith.index_cast %add3A_0 : i32 to index
    %get3A_1 = memref.load %arg1[%get3A] : memref<193xi32, #tpu.memory_space<smem>>
    %c0_i32 = arith.constant 0 : i32
    %c0_i32_2 = arith.constant 0 : i32
    %c0_i32_3 = arith.constant 0 : i32
    return %get3A_1, %c0_i32, %c0_i32_2 : i32, i32, i32
  }
  func.func @transform_3(%arg0: i32, %arg1: memref<193xi32, #tpu.memory_space<smem>>) -> (i32, i32) {
    %c0_i32 = arith.constant 0 : i32
    %c0_i32_0 = arith.constant 0 : i32
    return %arg0, %c0_i32 : i32, i32
  }
}

module attributes {stable_mosaic.version = 14 : i64} {
  func.func @_router_body(%arg0: memref<2048x1024xf32, #tpu.memory_space<vmem>>, %arg1: memref<16x1024xf32, #tpu.memory_space<vmem>>, %arg2: memref<1x16xf32, #tpu.memory_space<vmem>>, %arg3: memref<32x64xi32, #tpu.memory_space<vmem>>, %arg4: memref<32x64xi32, #tpu.memory_space<vmem>>, %arg5: memref<2048x8xf32, #tpu.memory_space<vmem>>, %arg6: memref<1x193xi32, #tpu.memory_space<vmem>>, %arg7: memref<2048x512xi32, #tpu.memory_space<vmem>>) attributes {dimension_semantics = [], scalar_prefetch = 0 : i64, scratch_operands = 0 : i64, tpu.core_type = #tpu.core_type<tc>} {
    %get3A = arith.constant 0 : index
    %get3A_0 = arith.constant 0 : index
    %get3A_1 = vector.load %arg0[%get3A, %get3A_0] : memref<2048x1024xf32, #tpu.memory_space<vmem>>, vector<2048x1024xf32>
    %bitcast_convert_type3A = tpu.bitcast %get3A_1 : vector<2048x1024xf32> -> vector<2048x1024xi32>
    %add3A = arith.constant 32767 : i32
    %add3A_2 = vector.broadcast %add3A : i32 to vector<2048x1024xi32>
    %add3A_3 = arith.addi %bitcast_convert_type3A, %add3A_2 : vector<2048x1024xi32>
    %shift_right_logical3A = arith.constant 16 : i32
    %shift_right_logical3A_4 = vector.broadcast %shift_right_logical3A : i32 to vector<2048x1024xi32>
    %shift_right_logical3A_5 = arith.shrui %bitcast_convert_type3A, %shift_right_logical3A_4 : vector<2048x1024xi32>
    %and3A = arith.constant 1 : i32
    %and3A_6 = vector.broadcast %and3A : i32 to vector<2048x1024xi32>
    %and3A_7 = arith.andi %shift_right_logical3A_5, %and3A_6 : vector<2048x1024xi32>
    %add3A_8 = arith.addi %add3A_3, %and3A_7 : vector<2048x1024xi32>
    %shift_right_logical3A_9 = arith.constant 16 : i32
    %shift_right_logical3A_10 = vector.broadcast %shift_right_logical3A_9 : i32 to vector<2048x1024xi32>
    %shift_right_logical3A_11 = arith.shrui %add3A_8, %shift_right_logical3A_10 : vector<2048x1024xi32>
    %slice3A = vector.extract_strided_slice %shift_right_logical3A_11 {offsets = [0, 0], sizes = [2048, 512], strides = [1, 1]} : vector<2048x1024xi32> to vector<2048x512xi32>
    %slice3A_12 = vector.extract_strided_slice %shift_right_logical3A_11 {offsets = [0, 512], sizes = [2048, 512], strides = [1, 1]} : vector<2048x1024xi32> to vector<2048x512xi32>
    %shift_left3A = arith.constant 16 : i32
    %shift_left3A_13 = vector.broadcast %shift_left3A : i32 to vector<2048x512xi32>
    %shift_left3A_14 = arith.shli %slice3A_12, %shift_left3A_13 : vector<2048x512xi32>
    %or3A = arith.ori %slice3A, %shift_left3A_14 : vector<2048x512xi32>
    %bitcast_convert_type3A_15 = tpu.bitcast %or3A : vector<2048x512xi32> -> vector<2048x512xi32>
    %swap3A = arith.constant 0 : index
    %swap3A_16 = arith.constant 0 : index
    %swap3A_17 = vector.load %arg7[%swap3A, %swap3A_16] : memref<2048x512xi32, #tpu.memory_space<vmem>>, vector<2048x512xi32>
    tpu.vector_store %arg7[%swap3A, %swap3A_16], %bitcast_convert_type3A_15 {strides = array<i32>} : memref<2048x512xi32, #tpu.memory_space<vmem>>, vector<2048x512xi32>,
    %get3A_18 = arith.constant 0 : index
    %get3A_19 = arith.constant 0 : index
    %get3A_20 = vector.load %arg1[%get3A_18, %get3A_19] : memref<16x1024xf32, #tpu.memory_space<vmem>>, vector<16x1024xf32>
    %dot_general3A = arith.constant dense<0.000000e+00> : vector<2048x16xf32>
    %dot_general3A_21 = tpu.matmul %get3A_1, %get3A_20, %dot_general3A {dimension_numbers = #tpu.dot_dimension_numbers<[1], [1], [0], [0], [0, 0, 1, 0], [], []>, transpose_lhs_hint = false} : vector<2048x1024xf32>, vector<16x1024xf32>, vector<2048x16xf32> -> vector<2048x16xf32>
    %get3A_22 = arith.constant 0 : index
    %get3A_23 = arith.constant 0 : index
    %get3A_24 = vector.load %arg2[%get3A_22, %get3A_23] : memref<1x16xf32, #tpu.memory_space<vmem>>, vector<1x16xf32>
    %add3A_25 = vector.broadcast %get3A_24 : vector<1x16xf32> to vector<2048x16xf32>
    %add3A_26 = arith.addf %dot_general3A_21, %add3A_25 : vector<2048x16xf32>
    %iota3A = tpu.iota {dimensions = array<i32: 1>} : vector<2048x16xi32>
    %reduce_max3A = arith.constant dense<0xFF800000> : vector<2048xf32>
    %reduce_max3A_27 = vector.multi_reduction <maximumf>, %add3A_26, %reduce_max3A [1] : vector<2048x16xf32> to vector<2048xf32>
    %broadcast_in_dim3A = vector.shape_cast %reduce_max3A_27 : vector<2048xf32> to vector<2048x1xf32>
    %eq3A = vector.broadcast %broadcast_in_dim3A : vector<2048x1xf32> to vector<2048x16xf32>
    %eq3A_28 = arith.cmpf oeq, %add3A_26, %eq3A : vector<2048x16xf32>
    %jit3A = arith.constant 16 : i32
    %broadcast_in_dim3A_29 = vector.broadcast %jit3A : i32 to vector<2048x16xi32>
    %select_n3A = arith.select %eq3A_28, %iota3A, %broadcast_in_dim3A_29 : vector<2048x16xi1>, vector<2048x16xi32>
    %reduce_min3A = arith.constant dense<2147483647> : vector<2048xi32>
    %reduce_min3A_30 = vector.multi_reduction <minsi>, %select_n3A, %reduce_min3A [1] : vector<2048x16xi32> to vector<2048xi32>
    %broadcast_in_dim3A_31 = vector.shape_cast %reduce_min3A_30 : vector<2048xi32> to vector<2048x1xi32>
    %eq3A_32 = vector.broadcast %broadcast_in_dim3A_31 : vector<2048x1xi32> to vector<2048x16xi32>
    %eq3A_33 = arith.cmpi eq, %iota3A, %eq3A_32 : vector<2048x16xi32>
    %jit3A_34 = arith.constant 0xFF800000 : f32
    %broadcast_in_dim3A_35 = vector.broadcast %jit3A_34 : f32 to vector<2048x16xf32>
    %select_n3A_36 = arith.select %eq3A_33, %broadcast_in_dim3A_35, %add3A_26 : vector<2048x16xi1>, vector<2048x16xf32>
    %reduce_max3A_37 = arith.constant dense<0xFF800000> : vector<2048xf32>
    %reduce_max3A_38 = vector.multi_reduction <maximumf>, %select_n3A_36, %reduce_max3A_37 [1] : vector<2048x16xf32> to vector<2048xf32>
    %broadcast_in_dim3A_39 = vector.shape_cast %reduce_max3A_38 : vector<2048xf32> to vector<2048x1xf32>
    %eq3A_40 = vector.broadcast %broadcast_in_dim3A_39 : vector<2048x1xf32> to vector<2048x16xf32>
    %eq3A_41 = arith.cmpf oeq, %select_n3A_36, %eq3A_40 : vector<2048x16xf32>
    %jit3A_42 = arith.constant 16 : i32
    %broadcast_in_dim3A_43 = vector.broadcast %jit3A_42 : i32 to vector<2048x16xi32>
    %select_n3A_44 = arith.select %eq3A_41, %iota3A, %broadcast_in_dim3A_43 : vector<2048x16xi1>, vector<2048x16xi32>
    %reduce_min3A_45 = arith.constant dense<2147483647> : vector<2048xi32>
    %reduce_min3A_46 = vector.multi_reduction <minsi>, %select_n3A_44, %reduce_min3A_45 [1] : vector<2048x16xi32> to vector<2048xi32>
    %broadcast_in_dim3A_47 = vector.shape_cast %reduce_min3A_46 : vector<2048xi32> to vector<2048x1xi32>
    %sub3A = arith.subf %broadcast_in_dim3A_39, %broadcast_in_dim3A : vector<2048x1xf32>
    %exp3A = math.exp %sub3A : vector<2048x1xf32>
    %add3A_48 = arith.constant 1.000000e+00 : f32
    %add3A_49 = vector.broadcast %add3A_48 : f32 to vector<2048x1xf32>
    %add3A_50 = arith.addf %add3A_49, %exp3A : vector<2048x1xf32>
    %div3A = arith.constant 1.000000e+00 : f32
    %div3A_51 = vector.broadcast %div3A : f32 to vector<2048x1xf32>
    %div3A_52 = arith.divf %div3A_51, %add3A_50 : vector<2048x1xf32>
    %broadcast_in_dim3A_53 = vector.shape_cast %div3A_52 : vector<2048x1xf32> to vector<2048x1xf32>
    %broadcast_in_dim3A_54 = vector.broadcast %broadcast_in_dim3A_53 : vector<2048x1xf32> to vector<2048x4xf32>
    %sub3A_55 = arith.constant 1.000000e+00 : f32
    %sub3A_56 = vector.broadcast %sub3A_55 : f32 to vector<2048x1xf32>
    %sub3A_57 = arith.subf %sub3A_56, %div3A_52 : vector<2048x1xf32>
    %broadcast_in_dim3A_58 = vector.shape_cast %sub3A_57 : vector<2048x1xf32> to vector<2048x1xf32>
    %broadcast_in_dim3A_59 = vector.broadcast %broadcast_in_dim3A_58 : vector<2048x1xf32> to vector<2048x4xf32>
    %concatenate3A = tpu.concatenate %broadcast_in_dim3A_54, %broadcast_in_dim3A_59 in 1 : vector<2048x4xf32>, vector<2048x4xf32> -> vector<2048x8xf32>
    %swap3A_60 = arith.constant 0 : index
    %swap3A_61 = arith.constant 0 : index
    %swap3A_62 = vector.load %arg5[%swap3A_60, %swap3A_61] : memref<2048x8xf32, #tpu.memory_space<vmem>>, vector<2048x8xf32>
    tpu.vector_store %arg5[%swap3A_60, %swap3A_61], %concatenate3A {strides = array<i32>} : memref<2048x8xf32, #tpu.memory_space<vmem>>, vector<2048x8xf32>,
    %eq3A_63 = vector.broadcast %broadcast_in_dim3A_31 : vector<2048x1xi32> to vector<2048x16xi32>
    %eq3A_64 = arith.cmpi eq, %iota3A, %eq3A_63 : vector<2048x16xi32>
    %eq3A_65 = vector.broadcast %broadcast_in_dim3A_47 : vector<2048x1xi32> to vector<2048x16xi32>
    %eq3A_66 = arith.cmpi eq, %iota3A, %eq3A_65 : vector<2048x16xi32>
    %concatenate3A_67 = tpu.concatenate %eq3A_64, %eq3A_66 in 0 : vector<2048x16xi1>, vector<2048x16xi1> -> vector<4096x16xi1>
    %convert_element_type3A = arith.extui %concatenate3A_67 : vector<4096x16xi1> to vector<4096x16xi32>
    %convert_element_type3A_68 = arith.sitofp %convert_element_type3A : vector<4096x16xi32> to vector<4096x16xf32>
    %iota3A_69 = tpu.iota {dimensions = array<i32: 0>} : vector<512x512xi32>
    %iota3A_70 = tpu.iota {dimensions = array<i32: 1>} : vector<512x512xi32>
    %ge3A = arith.cmpi sge, %iota3A_69, %iota3A_70 : vector<512x512xi32>
    %convert_element_type3A_71 = arith.extui %ge3A : vector<512x512xi1> to vector<512x512xi32>
    %convert_element_type3A_72 = arith.sitofp %convert_element_type3A_71 : vector<512x512xi32> to vector<512x512xf32>
    %broadcast_in_dim3A_73 = arith.constant 0.000000e+00 : f32
    %broadcast_in_dim3A_74 = vector.broadcast %broadcast_in_dim3A_73 : f32 to vector<1x16xf32>
    %slice3A_75 = vector.extract_strided_slice %convert_element_type3A_68 {offsets = [0, 0], sizes = [512, 16], strides = [1, 1]} : vector<4096x16xf32> to vector<512x16xf32>
    %dot_general3A_76 = arith.constant dense<0.000000e+00> : vector<512x16xf32>
    %dot_general3A_77 = tpu.matmul %convert_element_type3A_72, %slice3A_75, %dot_general3A_76 {dimension_numbers = #tpu.dot_dimension_numbers<[1], [0], [0], [1], [0, 0, 1, 1], [], []>, transpose_lhs_hint = false} : vector<512x512xf32>, vector<512x16xf32>, vector<512x16xf32> -> vector<512x16xf32>
    %add3A_78 = vector.broadcast %broadcast_in_dim3A_74 : vector<1x16xf32> to vector<512x16xf32>
    %add3A_79 = arith.addf %dot_general3A_77, %add3A_78 : vector<512x16xf32>
    %slice3A_80 = vector.extract_strided_slice %add3A_79 {offsets = [511, 0], sizes = [1, 16], strides = [1, 1]} : vector<512x16xf32> to vector<1x16xf32>
    %slice3A_81 = vector.extract_strided_slice %convert_element_type3A_68 {offsets = [512, 0], sizes = [512, 16], strides = [1, 1]} : vector<4096x16xf32> to vector<512x16xf32>
    %dot_general3A_82 = arith.constant dense<0.000000e+00> : vector<512x16xf32>
    %dot_general3A_83 = tpu.matmul %convert_element_type3A_72, %slice3A_81, %dot_general3A_82 {dimension_numbers = #tpu.dot_dimension_numbers<[1], [0], [0], [1], [0, 0, 1, 1], [], []>, transpose_lhs_hint = false} : vector<512x512xf32>, vector<512x16xf32>, vector<512x16xf32> -> vector<512x16xf32>
    %add3A_84 = vector.broadcast %slice3A_80 : vector<1x16xf32> to vector<512x16xf32>
    %add3A_85 = arith.addf %dot_general3A_83, %add3A_84 : vector<512x16xf32>
    %slice3A_86 = vector.extract_strided_slice %add3A_85 {offsets = [511, 0], sizes = [1, 16], strides = [1, 1]} : vector<512x16xf32> to vector<1x16xf32>
    %slice3A_87 = vector.extract_strided_slice %convert_element_type3A_68 {offsets = [1024, 0], sizes = [512, 16], strides = [1, 1]} : vector<4096x16xf32> to vector<512x16xf32>
    %dot_general3A_88 = arith.constant dense<0.000000e+00> : vector<512x16xf32>
    %dot_general3A_89 = tpu.matmul %convert_element_type3A_72, %slice3A_87, %dot_general3A_88 {dimension_numbers = #tpu.dot_dimension_numbers<[1], [0], [0], [1], [0, 0, 1, 1], [], []>, transpose_lhs_hint = false} : vector<512x512xf32>, vector<512x16xf32>, vector<512x16xf32> -> vector<512x16xf32>
    %add3A_90 = vector.broadcast %slice3A_86 : vector<1x16xf32> to vector<512x16xf32>
    %add3A_91 = arith.addf %dot_general3A_89, %add3A_90 : vector<512x16xf32>
    %slice3A_92 = vector.extract_strided_slice %add3A_91 {offsets = [511, 0], sizes = [1, 16], strides = [1, 1]} : vector<512x16xf32> to vector<1x16xf32>
    %slice3A_93 = vector.extract_strided_slice %convert_element_type3A_68 {offsets = [1536, 0], sizes = [512, 16], strides = [1, 1]} : vector<4096x16xf32> to vector<512x16xf32>
    %dot_general3A_94 = arith.constant dense<0.000000e+00> : vector<512x16xf32>
    %dot_general3A_95 = tpu.matmul %convert_element_type3A_72, %slice3A_93, %dot_general3A_94 {dimension_numbers = #tpu.dot_dimension_numbers<[1], [0], [0], [1], [0, 0, 1, 1], [], []>, transpose_lhs_hint = false} : vector<512x512xf32>, vector<512x16xf32>, vector<512x16xf32> -> vector<512x16xf32>
    %add3A_96 = vector.broadcast %slice3A_92 : vector<1x16xf32> to vector<512x16xf32>
    %add3A_97 = arith.addf %dot_general3A_95, %add3A_96 : vector<512x16xf32>
    %slice3A_98 = vector.extract_strided_slice %add3A_97 {offsets = [511, 0], sizes = [1, 16], strides = [1, 1]} : vector<512x16xf32> to vector<1x16xf32>
    %slice3A_99 = vector.extract_strided_slice %convert_element_type3A_68 {offsets = [2048, 0], sizes = [512, 16], strides = [1, 1]} : vector<4096x16xf32> to vector<512x16xf32>
    %dot_general3A_100 = arith.constant dense<0.000000e+00> : vector<512x16xf32>
    %dot_general3A_101 = tpu.matmul %convert_element_type3A_72, %slice3A_99, %dot_general3A_100 {dimension_numbers = #tpu.dot_dimension_numbers<[1], [0], [0], [1], [0, 0, 1, 1], [], []>, transpose_lhs_hint = false} : vector<512x512xf32>, vector<512x16xf32>, vector<512x16xf32> -> vector<512x16xf32>
    %add3A_102 = vector.broadcast %slice3A_98 : vector<1x16xf32> to vector<512x16xf32>
    %add3A_103 = arith.addf %dot_general3A_101, %add3A_102 : vector<512x16xf32>
    %slice3A_104 = vector.extract_strided_slice %add3A_103 {offsets = [511, 0], sizes = [1, 16], strides = [1, 1]} : vector<512x16xf32> to vector<1x16xf32>
    %slice3A_105 = vector.extract_strided_slice %convert_element_type3A_68 {offsets = [2560, 0], sizes = [512, 16], strides = [1, 1]} : vector<4096x16xf32> to vector<512x16xf32>
    %dot_general3A_106 = arith.constant dense<0.000000e+00> : vector<512x16xf32>
    %dot_general3A_107 = tpu.matmul %convert_element_type3A_72, %slice3A_105, %dot_general3A_106 {dimension_numbers = #tpu.dot_dimension_numbers<[1], [0], [0], [1], [0, 0, 1, 1], [], []>, transpose_lhs_hint = false} : vector<512x512xf32>, vector<512x16xf32>, vector<512x16xf32> -> vector<512x16xf32>
    %add3A_108 = vector.broadcast %slice3A_104 : vector<1x16xf32> to vector<512x16xf32>
    %add3A_109 = arith.addf %dot_general3A_107, %add3A_108 : vector<512x16xf32>
    %slice3A_110 = vector.extract_strided_slice %add3A_109 {offsets = [511, 0], sizes = [1, 16], strides = [1, 1]} : vector<512x16xf32> to vector<1x16xf32>
    %slice3A_111 = vector.extract_strided_slice %convert_element_type3A_68 {offsets = [3072, 0], sizes = [512, 16], strides = [1, 1]} : vector<4096x16xf32> to vector<512x16xf32>
    %dot_general3A_112 = arith.constant dense<0.000000e+00> : vector<512x16xf32>
    %dot_general3A_113 = tpu.matmul %convert_element_type3A_72, %slice3A_111, %dot_general3A_112 {dimension_numbers = #tpu.dot_dimension_numbers<[1], [0], [0], [1], [0, 0, 1, 1], [], []>, transpose_lhs_hint = false} : vector<512x512xf32>, vector<512x16xf32>, vector<512x16xf32> -> vector<512x16xf32>
    %add3A_114 = vector.broadcast %slice3A_110 : vector<1x16xf32> to vector<512x16xf32>
    %add3A_115 = arith.addf %dot_general3A_113, %add3A_114 : vector<512x16xf32>
    %slice3A_116 = vector.extract_strided_slice %add3A_115 {offsets = [511, 0], sizes = [1, 16], strides = [1, 1]} : vector<512x16xf32> to vector<1x16xf32>
    %slice3A_117 = vector.extract_strided_slice %convert_element_type3A_68 {offsets = [3584, 0], sizes = [512, 16], strides = [1, 1]} : vector<4096x16xf32> to vector<512x16xf32>
    %dot_general3A_118 = arith.constant dense<0.000000e+00> : vector<512x16xf32>
    %dot_general3A_119 = tpu.matmul %convert_element_type3A_72, %slice3A_117, %dot_general3A_118 {dimension_numbers = #tpu.dot_dimension_numbers<[1], [0], [0], [1], [0, 0, 1, 1], [], []>, transpose_lhs_hint = false} : vector<512x512xf32>, vector<512x16xf32>, vector<512x16xf32> -> vector<512x16xf32>
    %add3A_120 = vector.broadcast %slice3A_116 : vector<1x16xf32> to vector<512x16xf32>
    %add3A_121 = arith.addf %dot_general3A_119, %add3A_120 : vector<512x16xf32>
    %concatenate3A_122 = tpu.concatenate %add3A_79, %add3A_85, %add3A_91, %add3A_97, %add3A_103, %add3A_109, %add3A_115, %add3A_121 in 0 : vector<512x16xf32>, vector<512x16xf32>, vector<512x16xf32>, vector<512x16xf32>, vector<512x16xf32>, vector<512x16xf32>, vector<512x16xf32>, vector<512x16xf32> -> vector<4096x16xf32>
    %convert_element_type3A_123 = arith.fptosi %concatenate3A_122 : vector<4096x16xf32> to vector<4096x16xi32>
    %slice3A_124 = vector.extract_strided_slice %convert_element_type3A_123 {offsets = [4095, 0], sizes = [1, 16], strides = [1, 1]} : vector<4096x16xi32> to vector<1x16xi32>
    %add3A_125 = arith.constant 127 : i32
    %add3A_126 = vector.broadcast %add3A_125 : i32 to vector<1x16xi32>
    %add3A_127 = arith.addi %slice3A_124, %add3A_126 : vector<1x16xi32>
    %jit3A_128 = arith.constant 128 : i32
    %div3A_129 = vector.broadcast %jit3A_128 : i32 to vector<1x16xi32>
    %div3A_130 = arith.divsi %add3A_127, %div3A_129 : vector<1x16xi32>
    %sign3A = arith.constant 0 : i32
    %sign3A_131 = vector.broadcast %sign3A : i32 to vector<1x16xi32>
    %sign3A_132 = arith.cmpi sgt, %add3A_127, %sign3A_131 : vector<1x16xi32>
    %sign3A_133 = arith.extui %sign3A_132 : vector<1x16xi1> to vector<1x16xi32>
    %sign3A_134 = arith.constant 0 : i32
    %sign3A_135 = vector.broadcast %sign3A_134 : i32 to vector<1x16xi32>
    %sign3A_136 = arith.cmpi slt, %add3A_127, %sign3A_135 : vector<1x16xi32>
    %sign3A_137 = arith.extui %sign3A_136 : vector<1x16xi1> to vector<1x16xi32>
    %sign3A_138 = arith.subi %sign3A_133, %sign3A_137 : vector<1x16xi32>
    %sign3A_139 = arith.constant 0 : i32
    %sign3A_140 = arith.cmpi sgt, %jit3A_128, %sign3A_139 : i32
    %sign3A_141 = arith.extui %sign3A_140 : i1 to i32
    %sign3A_142 = arith.constant 0 : i32
    %sign3A_143 = arith.cmpi slt, %jit3A_128, %sign3A_142 : i32
    %sign3A_144 = arith.extui %sign3A_143 : i1 to i32
    %sign3A_145 = arith.subi %sign3A_141, %sign3A_144 : i32
    %ne3A = vector.broadcast %sign3A_145 : i32 to vector<1x16xi32>
    %ne3A_146 = arith.cmpi ne, %sign3A_138, %ne3A : vector<1x16xi32>
    %rem3A = vector.broadcast %jit3A_128 : i32 to vector<1x16xi32>
    %rem3A_147 = arith.remsi %add3A_127, %rem3A : vector<1x16xi32>
    %ne3A_148 = arith.constant 0 : i32
    %ne3A_149 = vector.broadcast %ne3A_148 : i32 to vector<1x16xi32>
    %ne3A_150 = arith.cmpi ne, %rem3A_147, %ne3A_149 : vector<1x16xi32>
    %and3A_151 = arith.andi %ne3A_146, %ne3A_150 : vector<1x16xi1>
    %sub3A_152 = arith.constant 1 : i32
    %sub3A_153 = vector.broadcast %sub3A_152 : i32 to vector<1x16xi32>
    %sub3A_154 = arith.subi %div3A_130, %sub3A_153 : vector<1x16xi32>
    %select_n3A_155 = arith.select %and3A_151, %sub3A_154, %div3A_130 : vector<1x16xi1>, vector<1x16xi32>
    %mul3A = arith.constant 128 : i32
    %mul3A_156 = vector.broadcast %mul3A : i32 to vector<1x16xi32>
    %mul3A_157 = arith.muli %select_n3A_155, %mul3A_156 : vector<1x16xi32>
    %broadcast_in_dim3A_158 = arith.constant 0 : i32
    %broadcast_in_dim3A_159 = vector.broadcast %broadcast_in_dim3A_158 : i32 to vector<1x1xi32>
    %slice3A_160 = vector.extract_strided_slice %mul3A_157 {offsets = [0, 0], sizes = [1, 15], strides = [1, 1]} : vector<1x16xi32> to vector<1x15xi32>
    %concatenate3A_161 = tpu.concatenate %broadcast_in_dim3A_159, %slice3A_160 in 1 : vector<1x1xi32>, vector<1x15xi32> -> vector<1x16xi32>
    %add3A_162 = arith.addi %mul3A_157, %concatenate3A_161 : vector<1x16xi32>
    %broadcast_in_dim3A_163 = arith.constant 0 : i32
    %broadcast_in_dim3A_164 = vector.broadcast %broadcast_in_dim3A_163 : i32 to vector<1x2xi32>
    %slice3A_165 = vector.extract_strided_slice %add3A_162 {offsets = [0, 0], sizes = [1, 14], strides = [1, 1]} : vector<1x16xi32> to vector<1x14xi32>
    %concatenate3A_166 = tpu.concatenate %broadcast_in_dim3A_164, %slice3A_165 in 1 : vector<1x2xi32>, vector<1x14xi32> -> vector<1x16xi32>
    %add3A_167 = arith.addi %add3A_162, %concatenate3A_166 : vector<1x16xi32>
    %broadcast_in_dim3A_168 = arith.constant 0 : i32
    %broadcast_in_dim3A_169 = vector.broadcast %broadcast_in_dim3A_168 : i32 to vector<1x4xi32>
    %slice3A_170 = vector.extract_strided_slice %add3A_167 {offsets = [0, 0], sizes = [1, 12], strides = [1, 1]} : vector<1x16xi32> to vector<1x12xi32>
    %concatenate3A_171 = tpu.concatenate %broadcast_in_dim3A_169, %slice3A_170 in 1 : vector<1x4xi32>, vector<1x12xi32> -> vector<1x16xi32>
    %add3A_172 = arith.addi %add3A_167, %concatenate3A_171 : vector<1x16xi32>
    %broadcast_in_dim3A_173 = arith.constant 0 : i32
    %broadcast_in_dim3A_174 = vector.broadcast %broadcast_in_dim3A_173 : i32 to vector<1x8xi32>
    %slice3A_175 = vector.extract_strided_slice %add3A_172 {offsets = [0, 0], sizes = [1, 8], strides = [1, 1]} : vector<1x16xi32> to vector<1x8xi32>
    %concatenate3A_176 = tpu.concatenate %broadcast_in_dim3A_174, %slice3A_175 in 1 : vector<1x8xi32>, vector<1x8xi32> -> vector<1x16xi32>
    %add3A_177 = arith.addi %add3A_172, %concatenate3A_176 : vector<1x16xi32>
    %sub3A_178 = arith.subi %add3A_177, %mul3A_157 : vector<1x16xi32>
    %broadcast_in_dim3A_179 = vector.shape_cast %sub3A_178 : vector<1x16xi32> to vector<1x16xi32>
    %broadcast_in_dim3A_180 = vector.broadcast %broadcast_in_dim3A_179 : vector<1x16xi32> to vector<4096x16xi32>
    %add3A_181 = arith.addi %convert_element_type3A_123, %broadcast_in_dim3A_180 : vector<4096x16xi32>
    %mul3A_182 = arith.muli %convert_element_type3A, %add3A_181 : vector<4096x16xi32>
    %reduce_sum3A = arith.constant dense<0> : vector<4096xi32>
    %reduce_sum3A_183 = vector.multi_reduction <add>, %mul3A_182, %reduce_sum3A [1] : vector<4096x16xi32> to vector<4096xi32>
    %broadcast_in_dim3A_184 = vector.shape_cast %reduce_sum3A_183 : vector<4096xi32> to vector<4096x1xi32>
    %sub3A_185 = arith.constant 1 : i32
    %sub3A_186 = vector.broadcast %sub3A_185 : i32 to vector<4096x1xi32>
    %sub3A_187 = arith.subi %broadcast_in_dim3A_184, %sub3A_186 : vector<4096x1xi32>
    %slice3A_188 = vector.extract_strided_slice %sub3A_187 {offsets = [0, 0], sizes = [2048, 1], strides = [1, 1]} : vector<4096x1xi32> to vector<2048x1xi32>
    %reshape3A = vector.shape_cast %slice3A_188 : vector<2048x1xi32> to vector<32x64xi32>
    %swap3A_189 = arith.constant 0 : index
    %swap3A_190 = arith.constant 0 : index
    %swap3A_191 = vector.load %arg3[%swap3A_189, %swap3A_190] : memref<32x64xi32, #tpu.memory_space<vmem>>, vector<32x64xi32>
    tpu.vector_store %arg3[%swap3A_189, %swap3A_190], %reshape3A {strides = array<i32>} : memref<32x64xi32, #tpu.memory_space<vmem>>, vector<32x64xi32>,
    %slice3A_192 = vector.extract_strided_slice %sub3A_187 {offsets = [2048, 0], sizes = [2048, 1], strides = [1, 1]} : vector<4096x1xi32> to vector<2048x1xi32>
    %reshape3A_193 = vector.shape_cast %slice3A_192 : vector<2048x1xi32> to vector<32x64xi32>
    %swap3A_194 = arith.constant 0 : index
    %swap3A_195 = arith.constant 0 : index
    %swap3A_196 = vector.load %arg4[%swap3A_194, %swap3A_195] : memref<32x64xi32, #tpu.memory_space<vmem>>, vector<32x64xi32>
    tpu.vector_store %arg4[%swap3A_194, %swap3A_195], %reshape3A_193 {strides = array<i32>} : memref<32x64xi32, #tpu.memory_space<vmem>>, vector<32x64xi32>,
    %jit3A_197 = arith.constant 128 : i32
    %div3A_198 = vector.broadcast %jit3A_197 : i32 to vector<1x16xi32>
    %div3A_199 = arith.divsi %add3A_177, %div3A_198 : vector<1x16xi32>
    %sign3A_200 = arith.constant 0 : i32
    %sign3A_201 = vector.broadcast %sign3A_200 : i32 to vector<1x16xi32>
    %sign3A_202 = arith.cmpi sgt, %add3A_177, %sign3A_201 : vector<1x16xi32>
    %sign3A_203 = arith.extui %sign3A_202 : vector<1x16xi1> to vector<1x16xi32>
    %sign3A_204 = arith.constant 0 : i32
    %sign3A_205 = vector.broadcast %sign3A_204 : i32 to vector<1x16xi32>
    %sign3A_206 = arith.cmpi slt, %add3A_177, %sign3A_205 : vector<1x16xi32>
    %sign3A_207 = arith.extui %sign3A_206 : vector<1x16xi1> to vector<1x16xi32>
    %sign3A_208 = arith.subi %sign3A_203, %sign3A_207 : vector<1x16xi32>
    %sign3A_209 = arith.constant 0 : i32
    %sign3A_210 = arith.cmpi sgt, %jit3A_197, %sign3A_209 : i32
    %sign3A_211 = arith.extui %sign3A_210 : i1 to i32
    %sign3A_212 = arith.constant 0 : i32
    %sign3A_213 = arith.cmpi slt, %jit3A_197, %sign3A_212 : i32
    %sign3A_214 = arith.extui %sign3A_213 : i1 to i32
    %sign3A_215 = arith.subi %sign3A_211, %sign3A_214 : i32
    %ne3A_216 = vector.broadcast %sign3A_215 : i32 to vector<1x16xi32>
    %ne3A_217 = arith.cmpi ne, %sign3A_208, %ne3A_216 : vector<1x16xi32>
    %rem3A_218 = vector.broadcast %jit3A_197 : i32 to vector<1x16xi32>
    %rem3A_219 = arith.remsi %add3A_177, %rem3A_218 : vector<1x16xi32>
    %ne3A_220 = arith.constant 0 : i32
    %ne3A_221 = vector.broadcast %ne3A_220 : i32 to vector<1x16xi32>
    %ne3A_222 = arith.cmpi ne, %rem3A_219, %ne3A_221 : vector<1x16xi32>
    %and3A_223 = arith.andi %ne3A_217, %ne3A_222 : vector<1x16xi1>
    %sub3A_224 = arith.constant 1 : i32
    %sub3A_225 = vector.broadcast %sub3A_224 : i32 to vector<1x16xi32>
    %sub3A_226 = arith.subi %div3A_199, %sub3A_225 : vector<1x16xi32>
    %select_n3A_227 = arith.select %and3A_223, %sub3A_226, %div3A_199 : vector<1x16xi1>, vector<1x16xi32>
    %slice3A_228 = vector.extract_strided_slice %select_n3A_227 {offsets = [0, 15], sizes = [1, 1], strides = [1, 1]} : vector<1x16xi32> to vector<1x1xi32>
    %iota3A_229 = tpu.iota {dimensions = array<i32: 0>} : vector<16x16xi32>
    %iota3A_230 = tpu.iota {dimensions = array<i32: 1>} : vector<16x16xi32>
    %eq3A_231 = arith.cmpi eq, %iota3A_229, %iota3A_230 : vector<16x16xi32>
    %convert_element_type3A_232 = arith.extui %eq3A_231 : vector<16x16xi1> to vector<16x16xi32>
    %convert_element_type3A_233 = arith.sitofp %convert_element_type3A_232 : vector<16x16xi32> to vector<16x16xf32>
    %convert_element_type3A_234 = arith.sitofp %select_n3A_227 : vector<1x16xi32> to vector<1x16xf32>
    %dot_general3A_235 = arith.constant dense<0.000000e+00> : vector<16x1xf32>
    %dot_general3A_236 = tpu.matmul %convert_element_type3A_233, %convert_element_type3A_234, %dot_general3A_235 {dimension_numbers = #tpu.dot_dimension_numbers<[1], [1], [0], [0], [0, 0, 1, 0], [], []>, transpose_lhs_hint = false} : vector<16x16xf32>, vector<1x16xf32>, vector<16x1xf32> -> vector<16x1xf32>
    %convert_element_type3A_237 = arith.fptosi %dot_general3A_236 : vector<16x1xf32> to vector<16x1xi32>
    %iota3A_238 = tpu.iota {dimensions = array<i32: 1>} : vector<16x48xi32>
    %sub3A_239 = arith.constant 1 : i32
    %sub3A_240 = vector.broadcast %sub3A_239 : i32 to vector<1x1xi32>
    %sub3A_241 = arith.subi %slice3A_228, %sub3A_240 : vector<1x1xi32>
    %min3A = vector.broadcast %sub3A_241 : vector<1x1xi32> to vector<16x48xi32>
    %min3A_242 = arith.minsi %iota3A_238, %min3A : vector<16x48xi32>
    %ge3A_243 = vector.broadcast %convert_element_type3A_237 : vector<16x1xi32> to vector<16x48xi32>
    %ge3A_244 = arith.cmpi sge, %min3A_242, %ge3A_243 : vector<16x48xi32>
    %convert_element_type3A_245 = arith.extui %ge3A_244 : vector<16x48xi1> to vector<16x48xi32>
    %reduce_sum3A_246 = arith.constant dense<0> : vector<48xi32>
    %reduce_sum3A_247 = vector.multi_reduction <add>, %convert_element_type3A_245, %reduce_sum3A_246 [0] : vector<16x48xi32> to vector<48xi32>
    %broadcast_in_dim3A_248 = vector.shape_cast %reduce_sum3A_247 : vector<48xi32> to vector<1x48xi32>
    %broadcast_in_dim3A_249 = arith.constant -1 : i32
    %broadcast_in_dim3A_250 = vector.broadcast %broadcast_in_dim3A_249 : i32 to vector<1x1xi32>
    %slice3A_251 = vector.extract_strided_slice %broadcast_in_dim3A_248 {offsets = [0, 0], sizes = [1, 47], strides = [1, 1]} : vector<1x48xi32> to vector<1x47xi32>
    %concatenate3A_252 = tpu.concatenate %broadcast_in_dim3A_250, %slice3A_251 in 1 : vector<1x1xi32>, vector<1x47xi32> -> vector<1x48xi32>
    %ne3A_253 = arith.cmpi ne, %broadcast_in_dim3A_248, %concatenate3A_252 : vector<1x48xi32>
    %convert_element_type3A_254 = arith.extui %ne3A_253 : vector<1x48xi1> to vector<1x48xi32>
    %broadcast_in_dim3A_255 = arith.constant 0 : i32
    %broadcast_in_dim3A_256 = vector.broadcast %broadcast_in_dim3A_255 : i32 to vector<1x1xi32>
    %slice3A_257 = vector.extract_strided_slice %convert_element_type3A_254 {offsets = [0, 0], sizes = [1, 47], strides = [1, 1]} : vector<1x48xi32> to vector<1x47xi32>
    %concatenate3A_258 = tpu.concatenate %broadcast_in_dim3A_256, %slice3A_257 in 1 : vector<1x1xi32>, vector<1x47xi32> -> vector<1x48xi32>
    %add3A_259 = arith.addi %convert_element_type3A_254, %concatenate3A_258 : vector<1x48xi32>
    %broadcast_in_dim3A_260 = arith.constant 0 : i32
    %broadcast_in_dim3A_261 = vector.broadcast %broadcast_in_dim3A_260 : i32 to vector<1x2xi32>
    %slice3A_262 = vector.extract_strided_slice %add3A_259 {offsets = [0, 0], sizes = [1, 46], strides = [1, 1]} : vector<1x48xi32> to vector<1x46xi32>
    %concatenate3A_263 = tpu.concatenate %broadcast_in_dim3A_261, %slice3A_262 in 1 : vector<1x2xi32>, vector<1x46xi32> -> vector<1x48xi32>
    %add3A_264 = arith.addi %add3A_259, %concatenate3A_263 : vector<1x48xi32>
    %broadcast_in_dim3A_265 = arith.constant 0 : i32
    %broadcast_in_dim3A_266 = vector.broadcast %broadcast_in_dim3A_265 : i32 to vector<1x4xi32>
    %slice3A_267 = vector.extract_strided_slice %add3A_264 {offsets = [0, 0], sizes = [1, 44], strides = [1, 1]} : vector<1x48xi32> to vector<1x44xi32>
    %concatenate3A_268 = tpu.concatenate %broadcast_in_dim3A_266, %slice3A_267 in 1 : vector<1x4xi32>, vector<1x44xi32> -> vector<1x48xi32>
    %add3A_269 = arith.addi %add3A_264, %concatenate3A_268 : vector<1x48xi32>
    %broadcast_in_dim3A_270 = arith.constant 0 : i32
    %broadcast_in_dim3A_271 = vector.broadcast %broadcast_in_dim3A_270 : i32 to vector<1x8xi32>
    %slice3A_272 = vector.extract_strided_slice %add3A_269 {offsets = [0, 0], sizes = [1, 40], strides = [1, 1]} : vector<1x48xi32> to vector<1x40xi32>
    %concatenate3A_273 = tpu.concatenate %broadcast_in_dim3A_271, %slice3A_272 in 1 : vector<1x8xi32>, vector<1x40xi32> -> vector<1x48xi32>
    %add3A_274 = arith.addi %add3A_269, %concatenate3A_273 : vector<1x48xi32>
    %broadcast_in_dim3A_275 = arith.constant 0 : i32
    %broadcast_in_dim3A_276 = vector.broadcast %broadcast_in_dim3A_275 : i32 to vector<1x16xi32>
    %slice3A_277 = vector.extract_strided_slice %add3A_274 {offsets = [0, 0], sizes = [1, 32], strides = [1, 1]} : vector<1x48xi32> to vector<1x32xi32>
    %concatenate3A_278 = tpu.concatenate %broadcast_in_dim3A_276, %slice3A_277 in 1 : vector<1x16xi32>, vector<1x32xi32> -> vector<1x48xi32>
    %add3A_279 = arith.addi %add3A_274, %concatenate3A_278 : vector<1x48xi32>
    %broadcast_in_dim3A_280 = arith.constant 0 : i32
    %broadcast_in_dim3A_281 = vector.broadcast %broadcast_in_dim3A_280 : i32 to vector<1x32xi32>
    %slice3A_282 = vector.extract_strided_slice %add3A_279 {offsets = [0, 0], sizes = [1, 16], strides = [1, 1]} : vector<1x48xi32> to vector<1x16xi32>
    %concatenate3A_283 = tpu.concatenate %broadcast_in_dim3A_281, %slice3A_282 in 1 : vector<1x32xi32>, vector<1x16xi32> -> vector<1x48xi32>
    %add3A_284 = arith.addi %add3A_279, %concatenate3A_283 : vector<1x48xi32>
    %sub3A_285 = arith.constant 1 : i32
    %sub3A_286 = vector.broadcast %sub3A_285 : i32 to vector<1x48xi32>
    %sub3A_287 = arith.subi %add3A_284, %sub3A_286 : vector<1x48xi32>
    %and3A_288 = arith.constant 1 : i32
    %and3A_289 = vector.broadcast %and3A_288 : i32 to vector<1x48xi32>
    %and3A_290 = arith.andi %sub3A_287, %and3A_289 : vector<1x48xi32>
    %iota3A_291 = tpu.iota {dimensions = array<i32: 0>} : vector<48x48xi32>
    %iota3A_292 = tpu.iota {dimensions = array<i32: 1>} : vector<48x48xi32>
    %eq3A_293 = arith.cmpi eq, %iota3A_291, %iota3A_292 : vector<48x48xi32>
    %convert_element_type3A_294 = arith.extui %eq3A_293 : vector<48x48xi1> to vector<48x48xi32>
    %convert_element_type3A_295 = arith.sitofp %convert_element_type3A_294 : vector<48x48xi32> to vector<48x48xf32>
    %convert_element_type3A_296 = arith.sitofp %broadcast_in_dim3A_248 : vector<1x48xi32> to vector<1x48xf32>
    %dot_general3A_297 = arith.constant dense<0.000000e+00> : vector<48x1xf32>
    %dot_general3A_298 = tpu.matmul %convert_element_type3A_295, %convert_element_type3A_296, %dot_general3A_297 {dimension_numbers = #tpu.dot_dimension_numbers<[1], [1], [0], [0], [0, 0, 1, 0], [], []>, transpose_lhs_hint = false} : vector<48x48xf32>, vector<1x48xf32>, vector<48x1xf32> -> vector<48x1xf32>
    %convert_element_type3A_299 = arith.fptosi %dot_general3A_298 : vector<48x1xf32> to vector<48x1xi32>
    %convert_element_type3A_300 = arith.sitofp %sub3A_287 : vector<1x48xi32> to vector<1x48xf32>
    %dot_general3A_301 = arith.constant dense<0.000000e+00> : vector<48x1xf32>
    %dot_general3A_302 = tpu.matmul %convert_element_type3A_295, %convert_element_type3A_300, %dot_general3A_301 {dimension_numbers = #tpu.dot_dimension_numbers<[1], [1], [0], [0], [0, 0, 1, 0], [], []>, transpose_lhs_hint = false} : vector<48x48xf32>, vector<1x48xf32>, vector<48x1xf32> -> vector<48x1xf32>
    %convert_element_type3A_303 = arith.fptosi %dot_general3A_302 : vector<48x1xf32> to vector<48x1xi32>
    %convert_element_type3A_304 = arith.sitofp %convert_element_type3A_254 : vector<1x48xi32> to vector<1x48xf32>
    %dot_general3A_305 = arith.constant dense<0.000000e+00> : vector<48x1xf32>
    %dot_general3A_306 = tpu.matmul %convert_element_type3A_295, %convert_element_type3A_304, %dot_general3A_305 {dimension_numbers = #tpu.dot_dimension_numbers<[1], [1], [0], [0], [0, 0, 1, 0], [], []>, transpose_lhs_hint = false} : vector<48x48xf32>, vector<1x48xf32>, vector<48x1xf32> -> vector<48x1xf32>
    %convert_element_type3A_307 = arith.fptosi %dot_general3A_306 : vector<48x1xf32> to vector<48x1xi32>
    %gt3A = arith.constant 0 : i32
    %gt3A_308 = vector.broadcast %gt3A : i32 to vector<48x1xi32>
    %gt3A_309 = arith.cmpi sgt, %convert_element_type3A_307, %gt3A_308 : vector<48x1xi32>
    %add3A_310 = arith.constant 1 : i32
    %add3A_311 = vector.broadcast %add3A_310 : i32 to vector<1x48xi32>
    %add3A_312 = arith.addi %sub3A_287, %add3A_311 : vector<1x48xi32>
    %eq3A_313 = vector.broadcast %convert_element_type3A_303 : vector<48x1xi32> to vector<48x48xi32>
    %eq3A_314 = vector.broadcast %add3A_312 : vector<1x48xi32> to vector<48x48xi32>
    %eq3A_315 = arith.cmpi eq, %eq3A_313, %eq3A_314 : vector<48x48xi32>
    %and3A_316 = vector.broadcast %gt3A_309 : vector<48x1xi1> to vector<48x48xi1>
    %and3A_317 = arith.andi %and3A_316, %eq3A_315 : vector<48x48xi1>
    %broadcast_in_dim3A_318 = vector.shape_cast %convert_element_type3A_299 : vector<48x1xi32> to vector<48x1xi32>
    %broadcast_in_dim3A_319 = vector.broadcast %broadcast_in_dim3A_318 : vector<48x1xi32> to vector<48x48xi32>
    %jit3A_320 = arith.constant 0 : i32
    %broadcast_in_dim3A_321 = vector.broadcast %jit3A_320 : i32 to vector<48x48xi32>
    %select_n3A_322 = arith.select %and3A_317, %broadcast_in_dim3A_319, %broadcast_in_dim3A_321 : vector<48x48xi1>, vector<48x48xi32>
    %reduce_sum3A_323 = arith.constant dense<0> : vector<48xi32>
    %reduce_sum3A_324 = vector.multi_reduction <add>, %select_n3A_322, %reduce_sum3A_323 [0] : vector<48x48xi32> to vector<48xi32>
    %broadcast_in_dim3A_325 = vector.shape_cast %reduce_sum3A_324 : vector<48xi32> to vector<1x48xi32>
    %convert_element_type3A_326 = arith.extui %and3A_317 : vector<48x48xi1> to vector<48x48xi32>
    %reduce_sum3A_327 = arith.constant dense<0> : vector<48xi32>
    %reduce_sum3A_328 = vector.multi_reduction <add>, %convert_element_type3A_326, %reduce_sum3A_327 [0] : vector<48x48xi32> to vector<48xi32>
    %broadcast_in_dim3A_329 = vector.shape_cast %reduce_sum3A_328 : vector<48xi32> to vector<1x48xi32>
    %concatenate3A_330 = tpu.concatenate %slice3A_228, %broadcast_in_dim3A_248, %and3A_290, %broadcast_in_dim3A_325, %broadcast_in_dim3A_329 in 1 : vector<1x1xi32>, vector<1x48xi32>, vector<1x48xi32>, vector<1x48xi32>, vector<1x48xi32> -> vector<1x193xi32>
    %swap3A_331 = arith.constant 0 : index
    %swap3A_332 = arith.constant 0 : index
    %swap3A_333 = vector.load %arg6[%swap3A_331, %swap3A_332] : memref<1x193xi32, #tpu.memory_space<vmem>>, vector<1x193xi32>
    tpu.vector_store %arg6[%swap3A_331, %swap3A_332], %concatenate3A_330 {strides = array<i32>} : memref<1x193xi32, #tpu.memory_space<vmem>>, vector<1x193xi32>,
    return
  }
}

module attributes {stable_mosaic.version = 14 : i64} {
  func.func @_final_body(%arg0: i32, %arg1: memref<256x512xi32, #tpu.memory_space<vmem>>, %arg2: memref<256x512xi32, #tpu.memory_space<vmem>>, %arg3: memref<256x8xf32, #tpu.memory_space<vmem>>, %arg4: memref<256x512xi32, #tpu.memory_space<vmem>>, %arg5: memref<1024x1024xbf16, #tpu.memory_space<vmem>>, %arg6: memref<1x1024xf32, #tpu.memory_space<vmem>>, %arg7: memref<1x1024xf32, #tpu.memory_space<vmem>>, %arg8: memref<256x1024xf32, #tpu.memory_space<vmem>>) attributes {dimension_semantics = [#tpu.dimension_semantics<arbitrary>], iteration_bounds = array<i64: 8>, scalar_prefetch = 0 : i64, scratch_operands = 0 : i64, tpu.core_type = #tpu.core_type<tc>, window_params = [{transform_indices = @transform_0, window_bounds = array<i64: 256, 512>}, {transform_indices = @transform_1, window_bounds = array<i64: 256, 512>}, {transform_indices = @transform_2, window_bounds = array<i64: 256, 8>}, {transform_indices = @transform_3, window_bounds = array<i64: 256, 512>}, {pipeline_mode = #tpu.pipeline_mode<synchronous>, transform_indices = @transform_4, window_bounds = array<i64: 1024, 1024>}, {pipeline_mode = #tpu.pipeline_mode<synchronous>, transform_indices = @transform_5, window_bounds = array<i64: 1, 1024>}, {pipeline_mode = #tpu.pipeline_mode<synchronous>, transform_indices = @transform_6, window_bounds = array<i64: 1, 1024>}, {transform_indices = @transform_7, window_bounds = array<i64: 256, 1024>}]} {
    %get3A = arith.constant 0 : index
    %get3A_0 = arith.constant 0 : index
    %get3A_1 = vector.load %arg1[%get3A, %get3A_0] : memref<256x512xi32, #tpu.memory_space<vmem>>, vector<256x512xi32>
    %bitcast_convert_type3A = tpu.bitcast %get3A_1 : vector<256x512xi32> -> vector<256x512xi32>
    %shift_left3A = arith.constant 16 : i32
    %shift_left3A_2 = vector.broadcast %shift_left3A : i32 to vector<256x512xi32>
    %shift_left3A_3 = arith.shli %bitcast_convert_type3A, %shift_left3A_2 : vector<256x512xi32>
    %bitcast_convert_type3A_4 = tpu.bitcast %shift_left3A_3 : vector<256x512xi32> -> vector<256x512xf32>
    %and3A = arith.constant -65536 : i32
    %and3A_5 = vector.broadcast %and3A : i32 to vector<256x512xi32>
    %and3A_6 = arith.andi %bitcast_convert_type3A, %and3A_5 : vector<256x512xi32>
    %bitcast_convert_type3A_7 = tpu.bitcast %and3A_6 : vector<256x512xi32> -> vector<256x512xf32>
    %concatenate3A = tpu.concatenate %bitcast_convert_type3A_4, %bitcast_convert_type3A_7 in 1 : vector<256x512xf32>, vector<256x512xf32> -> vector<256x1024xf32>
    %get3A_8 = arith.constant 0 : index
    %get3A_9 = arith.constant 0 : index
    %get3A_10 = vector.load %arg3[%get3A_8, %get3A_9] : memref<256x8xf32, #tpu.memory_space<vmem>>, vector<256x8xf32>
    %slice3A = vector.extract_strided_slice %get3A_10 {offsets = [0, 0], sizes = [256, 1], strides = [1, 1]} : vector<256x8xf32> to vector<256x1xf32>
    %mul3A = vector.broadcast %slice3A : vector<256x1xf32> to vector<256x1024xf32>
    %mul3A_11 = arith.mulf %concatenate3A, %mul3A : vector<256x1024xf32>
    %get3A_12 = arith.constant 0 : index
    %get3A_13 = arith.constant 0 : index
    %get3A_14 = vector.load %arg2[%get3A_12, %get3A_13] : memref<256x512xi32, #tpu.memory_space<vmem>>, vector<256x512xi32>
    %bitcast_convert_type3A_15 = tpu.bitcast %get3A_14 : vector<256x512xi32> -> vector<256x512xi32>
    %shift_left3A_16 = arith.constant 16 : i32
    %shift_left3A_17 = vector.broadcast %shift_left3A_16 : i32 to vector<256x512xi32>
    %shift_left3A_18 = arith.shli %bitcast_convert_type3A_15, %shift_left3A_17 : vector<256x512xi32>
    %bitcast_convert_type3A_19 = tpu.bitcast %shift_left3A_18 : vector<256x512xi32> -> vector<256x512xf32>
    %and3A_20 = arith.constant -65536 : i32
    %and3A_21 = vector.broadcast %and3A_20 : i32 to vector<256x512xi32>
    %and3A_22 = arith.andi %bitcast_convert_type3A_15, %and3A_21 : vector<256x512xi32>
    %bitcast_convert_type3A_23 = tpu.bitcast %and3A_22 : vector<256x512xi32> -> vector<256x512xf32>
    %concatenate3A_24 = tpu.concatenate %bitcast_convert_type3A_19, %bitcast_convert_type3A_23 in 1 : vector<256x512xf32>, vector<256x512xf32> -> vector<256x1024xf32>
    %get3A_25 = arith.constant 0 : index
    %get3A_26 = arith.constant 0 : index
    %get3A_27 = vector.load %arg3[%get3A_25, %get3A_26] : memref<256x8xf32, #tpu.memory_space<vmem>>, vector<256x8xf32>
    %slice3A_28 = vector.extract_strided_slice %get3A_27 {offsets = [0, 4], sizes = [256, 1], strides = [1, 1]} : vector<256x8xf32> to vector<256x1xf32>
    %mul3A_29 = vector.broadcast %slice3A_28 : vector<256x1xf32> to vector<256x1024xf32>
    %mul3A_30 = arith.mulf %concatenate3A_24, %mul3A_29 : vector<256x1024xf32>
    %add3A = arith.addf %mul3A_11, %mul3A_30 : vector<256x1024xf32>
    %convert_element_type3A = arith.truncf %add3A : vector<256x1024xf32> to vector<256x1024xbf16>
    %get3A_31 = arith.constant 0 : index
    %get3A_32 = arith.constant 0 : index
    %get3A_33 = vector.load %arg5[%get3A_31, %get3A_32] : memref<1024x1024xbf16, #tpu.memory_space<vmem>>, vector<1024x1024xbf16>
    %dot_general3A = arith.constant dense<0.000000e+00> : vector<256x1024xf32>
    %dot_general3A_34 = tpu.matmul %convert_element_type3A, %get3A_33, %dot_general3A {dimension_numbers = #tpu.dot_dimension_numbers<[1], [1], [0], [0], [0, 0, 1, 0], [], []>, transpose_lhs_hint = false} : vector<256x1024xbf16>, vector<1024x1024xbf16>, vector<256x1024xf32> -> vector<256x1024xf32>
    %get3A_35 = arith.constant 0 : index
    %get3A_36 = arith.constant 0 : index
    %get3A_37 = vector.load %arg6[%get3A_35, %get3A_36] : memref<1x1024xf32, #tpu.memory_space<vmem>>, vector<1x1024xf32>
    %add3A_38 = vector.broadcast %get3A_37 : vector<1x1024xf32> to vector<256x1024xf32>
    %add3A_39 = arith.addf %dot_general3A_34, %add3A_38 : vector<256x1024xf32>
    %get3A_40 = arith.constant 0 : index
    %get3A_41 = arith.constant 0 : index
    %get3A_42 = vector.load %arg4[%get3A_40, %get3A_41] : memref<256x512xi32, #tpu.memory_space<vmem>>, vector<256x512xi32>
    %bitcast_convert_type3A_43 = tpu.bitcast %get3A_42 : vector<256x512xi32> -> vector<256x512xi32>
    %shift_left3A_44 = arith.constant 16 : i32
    %shift_left3A_45 = vector.broadcast %shift_left3A_44 : i32 to vector<256x512xi32>
    %shift_left3A_46 = arith.shli %bitcast_convert_type3A_43, %shift_left3A_45 : vector<256x512xi32>
    %bitcast_convert_type3A_47 = tpu.bitcast %shift_left3A_46 : vector<256x512xi32> -> vector<256x512xf32>
    %and3A_48 = arith.constant -65536 : i32
    %and3A_49 = vector.broadcast %and3A_48 : i32 to vector<256x512xi32>
    %and3A_50 = arith.andi %bitcast_convert_type3A_43, %and3A_49 : vector<256x512xi32>
    %bitcast_convert_type3A_51 = tpu.bitcast %and3A_50 : vector<256x512xi32> -> vector<256x512xf32>
    %concatenate3A_52 = tpu.concatenate %bitcast_convert_type3A_47, %bitcast_convert_type3A_51 in 1 : vector<256x512xf32>, vector<256x512xf32> -> vector<256x1024xf32>
    %add3A_53 = arith.addf %concatenate3A_52, %add3A_39 : vector<256x1024xf32>
    %mul3A_54 = arith.mulf %add3A_53, %add3A_53 : vector<256x1024xf32>
    %reduce_sum3A = arith.constant dense<0.000000e+00> : vector<256xf32>
    %reduce_sum3A_55 = vector.multi_reduction <add>, %mul3A_54, %reduce_sum3A [1] : vector<256x1024xf32> to vector<256xf32>
    %broadcast_in_dim3A = vector.shape_cast %reduce_sum3A_55 : vector<256xf32> to vector<256x1xf32>
    %div3A = arith.constant 1.024000e+03 : f32
    %div3A_56 = vector.broadcast %div3A : f32 to vector<256x1xf32>
    %div3A_57 = arith.divf %broadcast_in_dim3A, %div3A_56 : vector<256x1xf32>
    %add3A_58 = arith.constant 9.99999997E-7 : f32
    %add3A_59 = vector.broadcast %add3A_58 : f32 to vector<256x1xf32>
    %add3A_60 = arith.addf %div3A_57, %add3A_59 : vector<256x1xf32>
    %rsqrt3A = math.rsqrt %add3A_60 : vector<256x1xf32>
    %get3A_61 = arith.constant 0 : index
    %get3A_62 = arith.constant 0 : index
    %get3A_63 = vector.load %arg7[%get3A_61, %get3A_62] : memref<1x1024xf32, #tpu.memory_space<vmem>>, vector<1x1024xf32>
    %mul3A_64 = vector.broadcast %rsqrt3A : vector<256x1xf32> to vector<256x1024xf32>
    %mul3A_65 = arith.mulf %add3A_53, %mul3A_64 : vector<256x1024xf32>
    %mul3A_66 = vector.broadcast %get3A_63 : vector<1x1024xf32> to vector<256x1024xf32>
    %mul3A_67 = arith.mulf %mul3A_66, %mul3A_65 : vector<256x1024xf32>
    %swap3A = arith.constant 0 : index
    %swap3A_68 = arith.constant 0 : index
    %swap3A_69 = vector.load %arg8[%swap3A, %swap3A_68] : memref<256x1024xf32, #tpu.memory_space<vmem>>, vector<256x1024xf32>
    tpu.vector_store %arg8[%swap3A, %swap3A_68], %mul3A_67 {strides = array<i32>} : memref<256x1024xf32, #tpu.memory_space<vmem>>, vector<256x1024xf32>,
    return
  }
  func.func @transform_0(%arg0: i32) -> (i32, i32) {
    %c0_i32 = arith.constant 0 : i32
    %c0_i32_0 = arith.constant 0 : i32
    return %arg0, %c0_i32 : i32, i32
  }
  func.func @transform_1(%arg0: i32) -> (i32, i32) {
    %c0_i32 = arith.constant 0 : i32
    %c0_i32_0 = arith.constant 0 : i32
    return %arg0, %c0_i32 : i32, i32
  }
  func.func @transform_2(%arg0: i32) -> (i32, i32) {
    %c0_i32 = arith.constant 0 : i32
    %c0_i32_0 = arith.constant 0 : i32
    return %arg0, %c0_i32 : i32, i32
  }
  func.func @transform_3(%arg0: i32) -> (i32, i32) {
    %c0_i32 = arith.constant 0 : i32
    %c0_i32_0 = arith.constant 0 : i32
    return %arg0, %c0_i32 : i32, i32
  }
  func.func @transform_4(%arg0: i32) -> (i32, i32) {
    %c0_i32 = arith.constant 0 : i32
    %c0_i32_0 = arith.constant 0 : i32
    %c0_i32_1 = arith.constant 0 : i32
    return %c0_i32, %c0_i32_0 : i32, i32
  }
  func.func @transform_5(%arg0: i32) -> (i32, i32) {
    %c0_i32 = arith.constant 0 : i32
    %c0_i32_0 = arith.constant 0 : i32
    %c0_i32_1 = arith.constant 0 : i32
    return %c0_i32, %c0_i32_0 : i32, i32
  }
  func.func @transform_6(%arg0: i32) -> (i32, i32) {
    %c0_i32 = arith.constant 0 : i32
    %c0_i32_0 = arith.constant 0 : i32
    %c0_i32_1 = arith.constant 0 : i32
    return %c0_i32, %c0_i32_0 : i32, i32
  }
  func.func @transform_7(%arg0: i32) -> (i32, i32) {
    %c0_i32 = arith.constant 0 : i32
    %c0_i32_0 = arith.constant 0 : i32
    return %arg0, %c0_i32 : i32, i32
  }
}

</mosaic_0001>

<sc_bundles>
// kernel: kernel.10.cloned.1.call-start
scs
__scs_entry_jumppad:
0x0: {  	(pc) =	sbr.rel $0x88, $3  }
0x1: {  	(tag) =	ssettag $0x0;
	lr =	simm.s32 $0x1  }
0x2: {  	[smem:$0x3F99] =	sst lr;
	_ =	strace $0xD0000000  }
0x3: {  	_ = 	snop  }
0x4: {  	_ = 	snop  }
0x5: {  	_ = 	snop  }
0x6: {  	_ = 	snop  }
0x7: {  	_ = 	snop  }
__scs_overlays_trampoline_lowered:
0x8: {  	[smem:$0x3FA8] =	sst s0  }
0x9: {  	[smem:$0x3FA9] =	sst s1  }
0xa: {  	[smem:$0x3FAA] =	sst s2  }
0xb: {  	[smem:$0x3FAB] =	sst s3  }
0xc: {  	[smem:$0x3FAC] =	sst s4  }
0xd: {  	[smem:$0x3FAD] =	sst s5  }
0xe: {  	[smem:$0x3FAE] =	sst s6  }
0xf: {  	[smem:$0x3FAF] =	sst s7  }
0x10: {  	[smem:$0x3FB0] =	sst s8  }
0x11: {  	[smem:$0x3FB1] =	sst s9;
	s0 =	simm.s32 @!p0 $0x0  }
0x12: {  	s1 =	sld [smem:$0x3F97];
	s0 =	simm.s32 @p0 $0x1  }
0x13: {  	[smem:$0x3FB2] =	sst s0;
	s0 =	simm.s32 @!p1 $0x0  }
0x14: {  	s2 =	sld [smem:$0x3F96];
	s0 =	simm.s32 @p1 $0x1  }
0x15: {  	[smem:$0x3FB3] =	sst s0;
	s0 =	simm.s32 @!p2 $0x0  }
0x16: {  	s3 =	sld [smem:$0x3FDB];
	s0 =	simm.s32 @p2 $0x1  }
0x17: {  	s4 =	simm.s32 $0x1BF5;
	[smem:$0x3FB5] =	sst s0  }
0x18: {  	s0 =	sld [smem:$0x3F98];
	_ =	swait.ge [sflag:s4], $0x0  }
0x19: {  	s7 =	sld [smem:$0x3F99]  }
0x1a: {  	s8 =	sadd.s32 $0xFFFFE003, lr  }
0x1b: {  	s9 =	sadd.s32 $0xFFFFFEF7, lr;
	s5 =	simm.s32 $0xFFFFFFFF;
	p2 =	slt.u32 s8, $0xFFFFF086  }
0x1c: {  	p1 =	slt.u32 s9, $0xF7A;
	s5 =	simm.s32 @!p2 $0x0  }
0x1d: {  	s5 =	simm.s32 @p1 $0x1;
	p0 =	seq.s32 s7, s2  }
0x1e: {  	s7 =	smul.u32 @!p0 $0xF7A, s2;
	p2 =	seq.s32 @!p0 s5, $0x0  }
0x1f: {  	s9 =	smul.u32 $0xF7A, s1;
	s8 =	simm.s32 @!p0 $0x1BF5;
	p2 =	por !p2, p0  }
0x20: {  	[sflag:s8] =	ssyncset.s32 @!p0 $0xFFFFF086;
	s6 =	sadd.s32 @!p0 s3, s7;
	s7 =	simm.s32 @!p0 $0x108  }
0x21: {  	s3 =	sadd.s32 s3, s9;
	s6 =	sadd.s32 @!p0 $0x88, s6;
	s7 =	simm.s32 @p2 $0x1082  }
0x22: {  	[simem:s7], [sflag:s8] =	dma.local @!p0 [hbm:s6], $0xF7A  }
0x23: {  	s9 =	sor.u32 $0xD0000000, s2;
	s6 =	simm.s32 $0x108;
	_ =	swait.ge @!p0 [sflag:s8], $0x0  }
0x24: {  	s3 =	sadd.s32 $0x88, s3;
	s6 =	simm.s32 @!p1 $0x1082;
	[sflag:s4] =	ssyncset.s32 $0xFFFFF086  }
0x25: {  	[simem:s6], [sflag:s4] =	dma.local [hbm:s3], $0xF7A  }
0x26: {  	[smem:$0x3F99] =	sst s1;
	(tag) =	ssettag s2;
	_ =	strace s9  }
0x27: {  	s1 =	sld [smem:$0x3FA9]  }
0x28: {  	s2 =	sld [smem:$0x3FAA]  }
0x29: {  	s4 =	sld [smem:$0x3FAC]  }
0x2a: {  	p0 =	seq.s32 s5, $0x0;
	s5 =	sld [smem:$0x3FAD]  }
0x2b: {  	s6 =	sld [smem:$0x3FAE]  }
0x2c: {  	s7 =	sld [smem:$0x3FAF]  }
0x2d: {  	s3 =	simm.s32 $0x108;
	s8 =	sld [smem:$0x3FB0]  }
0x2e: {  	s3 =	simm.s32 @!p0 $0x1082;
	s9 =	sld [smem:$0x3FB1]  }
0x2f: {  	lr =	sadd.s32 s0, s3;
	s0 =	sld [smem:$0x3FA8]  }
0x30: {  	s3 =	sld [smem:$0x3FAB]  }
0x31: {  	[smem:$0x3FB4] =	sst s10  }
0x32: {  	s10 =	sld [smem:$0x3FB2];
	_ =	sdelay $0x3  }
0x33: {  	p0 =	seq.s32 s10, $0x1;
	s10 =	sld [smem:$0x3FB4];
	_ =	sdelay $0x3  }
0x34: {  	[smem:$0x3FB4] =	sst s10  }
0x35: {  	s10 =	sld [smem:$0x3FB3];
	_ =	sdelay $0x3  }
0x36: {  	p1 =	seq.s32 s10, $0x1;
	s10 =	sld [smem:$0x3FB4];
	_ =	sdelay $0x3  }
0x37: {  	[smem:$0x3FB4] =	sst s10  }
0x38: {  	s10 =	sld [smem:$0x3FB5]  }
0x39: {  	_ = 	snop;
	(pc) =	sbr.ind lr, $3  }
0x3a: {  	_ = 	snop  }
0x3b: {  	_ = 	snop  }
0x3c: {  	p2 =	seq.s32 s10, $0x1;
	s10 =	sld [smem:$0x3FB4]  }
0x3d: {  	_ =	shalt  }
0x3e: {  	_ =	shalt  }
0x3f: {  	_ =	shalt  }
0x40: {  	_ =	shalt  }
0x41: {  	_ =	shalt  }
0x42: {  	_ =	shalt  }
0x43: {  	_ =	shalt  }
0x44: {  	_ =	shalt  }
0x45: {  	_ =	shalt  }
0x46: {  	_ =	shalt  }
0x47: {  	_ =	shalt  }
0x48: {  	_ =	shalt  }
0x49: {  	_ =	shalt  }
0x4a: {  	_ =	shalt  }
0x4b: {  	_ =	shalt  }
0x4c: {  	_ =	shalt  }
0x4d: {  	_ =	shalt  }
0x4e: {  	_ =	shalt  }
0x4f: {  	_ =	shalt  }
0x50: {  	_ =	shalt  }
0x51: {  	_ =	shalt  }
0x52: {  	_ =	shalt  }
0x53: {  	_ =	shalt  }
0x54: {  	_ =	shalt  }
0x55: {  	_ =	shalt  }
0x56: {  	_ =	shalt  }
0x57: {  	_ =	shalt  }
0x58: {  	_ =	shalt  }
0x59: {  	_ =	shalt  }
0x5a: {  	_ =	shalt  }
0x5b: {  	_ =	shalt  }
0x5c: {  	_ =	shalt  }
0x5d: {  	_ =	shalt  }
0x5e: {  	_ =	shalt  }
0x5f: {  	_ =	shalt  }
0x60: {  	_ =	shalt  }
0x61: {  	_ =	shalt  }
0x62: {  	_ =	shalt  }
0x63: {  	_ =	shalt  }
0x64: {  	_ =	shalt  }
0x65: {  	_ =	shalt  }
0x66: {  	_ =	shalt  }
0x67: {  	_ =	shalt  }
0x68: {  	_ =	shalt  }
0x69: {  	_ =	shalt  }
0x6a: {  	_ =	shalt  }
0x6b: {  	_ =	shalt  }
0x6c: {  	_ =	shalt  }
0x6d: {  	_ =	shalt  }
0x6e: {  	_ =	shalt  }
0x6f: {  	_ =	shalt  }
0x70: {  	_ =	shalt  }
0x71: {  	_ =	shalt  }
0x72: {  	_ =	shalt  }
0x73: {  	_ =	shalt  }
0x74: {  	_ =	shalt  }
0x75: {  	_ =	shalt  }
0x76: {  	_ =	shalt  }
0x77: {  	_ =	shalt  }
0x78: {  	_ =	shalt  }
0x79: {  	_ =	shalt  }
0x7a: {  	_ =	shalt  }
0x7b: {  	_ =	shalt  }
0x7c: {  	_ =	shalt  }
0x7d: {  	_ =	shalt  }
0x7e: {  	_ =	shalt  }
0x7f: {  	_ =	shalt  }
0x80: {  	_ =	shalt  }
0x81: {  	_ =	shalt  }
0x82: {  	_ =	shalt  }
0x83: {  	_ =	shalt  }
0x84: {  	_ =	shalt  }
0x85: {  	_ =	shalt  }
0x86: {  	_ =	shalt  }
0x87: {  	_ =	shalt  }
.Lfunc_end0:
.L_simem_size_0:
called_computation.1_lowered:
.L_overlay_start_0:
0x88: {  	s2 =	sld [smem:$0x3FD9]  }
0x89: {  	s3 =	sld [smem:$0x3FFE];
	_ =	sdelay $0x1  }
0x8a: {  	s1 =	srdreg.scid  }
0x8b: {  	s0 =	sand.u32 $0x1, s1  }
0x8c: {  	s16 =	sshll.u32 s0, $0xA;
	s2 =	sadd.s32 s3, s2  }
0x8d: {  	s2 =	sadd.s32 s2, s16  }
0x8e: {  	[smem:$0x3FC0] =	sst s2  }
0x8f: {  	_ = 	snop  }
0x90: {  	(tm) =	ssettm $0x1  }
0x91: {  	s17 =	sld [smem:$0x3FFB];
	_ =	sdelay $0x3  }
0x92: {  	_ =	strace s17  }
0x93: {  	s2 =	sld [smem:$0x3FFC];
	_ =	sdelay $0x3  }
0x94: {  	_ =	strace s2  }
0x95: {  	s2 =	sld [smem:$0x3FFD];
	_ =	sdelay $0x3  }
0x96: {  	_ =	strace s2  }
0x97: {  	_ =	strace $0x8FFFFFFF  }
0x98: {  	s18 =	sld [smem:$0x3FDB];
	_ =	sdelay $0x1  }
0x99: {  	s19 =	simm.s32 $_scs_section_size  }
0x9a: {  	s4 =	simm.s32 $_size__tile_overlayer_lowered;
	s5 =	simm.s32 $_tile_overlayer_lowered  }
0x9b: {  	s22 =	simm.s32 $0x1BFF;
	s21 =	sshll.u32 s5, $0x1;
	s2 =	sadd.s32 s19, s18  }
0x9c: {  	s6 =	simm.s32 $0x0;
	s20 =	sshll.u32 s4, $0x1;
	s4 =	sadd.s32 s21, s2  }
0x9d: {  	[timem:s6], [sflag:s22] =	dma.local [hbm:s4], s20  }
0x9e: {  	_ =	swait.ge [sflag:s22], s20  }
0x9f: {  	s3 =	ssub.s32 $0x0, s20;
	[sflag:s22] =	ssyncset.done $0x0  }
0xa0: {  	[sflag:s22] =	ssyncadd.s32 s3;
	_ =	sdelay $0x1  }
0xa1: {  	s23 =	simm.s32 $0x1B8B  }
0xa2: {  	_ =	swait.ge [sflag:s23], $0x1  }
0xa3: {  	[sflag:s23] =	ssyncset.done $0x0  }
0xa4: {  	s25 =	simm.s32 $0x1B8E;
	s24 =	sld [smem:$0x3FFE];
	[sflag:s23] =	ssyncadd.s32 $0xFFFFFFFF  }
0xa5: {  	s26 =	simm.s32 $execute0_lowered;
	[smem:$0x3FD2] =	sst s25  }
0xa6: {  	s4 =	sshll.u32 s26, $0x1;
	_ =	strace $0x80000049;
	[dreg:$0x1] =	wrdreg $0xFFFFFFFF  }
0xa7: {  	s28 =	simm.s32 $_size_execute0_lowered;
	s2 =	sadd.s32 s2, s4;
	[dreg:$0x0] =	wrdreg $0x0  }
0xa8: {  	s4 =	sshll.u32 s28, $0x1;
	[dreg:$0x2] =	wrdreg s2  }
0xa9: {  	[dreg:$0x3] =	wrdreg s4  }
0xaa: {  	[dreg:$0x4] =	wrdreg $0xC0  }
0xab: {  	_ =	task [dreg:s6], $0x5FFFF  }
0xac: {  	[dreg:$0x1] =	wrdreg $0xFFFFFFFF  }
0xad: {  	[dreg:$0x0] =	wrdreg $0x60  }
0xae: {  	[dreg:$0x2] =	wrdreg s24  }
0xaf: {  	[dreg:$0x3] =	wrdreg $0x9  }
0xb0: {  	_ =	task.clear_ibuf [dreg:s6], $0x4FFFF;
	_ =	strace $0x90000049  }
0xb1: {  	s29 =	simm.s32 $0x9;
	_ =	strace $0x8000004B  }
0xb2: {  	_ =	swait.ge [sflag:s29], $0x1  }
0xb3: {  	[sflag:s29] =	ssyncadd.s32 $0xFFFFFFFF  }
0xb4: {  	_ =	strace $0x9000004B  }
0xb5: {  	_ =	sfence  }
0xb6: {  	s30 =	sld [smem:$0x0];
	_ =	sdelay $0x2  }
0xb7: {  	s31 =	sshll.u32 s1, $0xD;
	s1 =	sshrl.u32 s1, $0x2  }
0xb8: {  	s3 =	sand.u32 $0x4000, s31;
	s1 =	sadd.s32 s1, s30  }
0xb9: {  	s0 =	sor.u32 s3, s0;
	s1 =	sshll.u32 s1, $0x11  }
0xba: {  	s0 =	sor.u32 s1, s0  }
0xbb: {  	s0 =	sadd.s32 $0x8F2B, s0  }
0xbc: {  	[sflag:s0] =	ssyncadd.remote.s32 $0x1  }
0xbd: {  	_ =	sfence.sel $0xFFFF  }
0xbe: {  	[dreg:$0x0] =	wrdreg $0xFFFFFFFF;
	(pc) =	sbr.abs _section_cstart, $3  }
0xbf: {  	[dreg:$0x1] =	wrdreg $0xFFFFFFFF  }
0xc0: {  	_ =	task.clear_ibuf [dreg:s6], $0x2FFFF;
	_ =	strace $0x9FFFFFFF  }
0xc1: {  	(tm) =	ssettm $0x7FFFFFFF  }
tec
execute0_lowered:
.L_overlay_start_1:
0x0: {  	(tag) =	ssettag $0x1  }
0x1: {  	s1 =	srdreg.scid  }
0x2: {  	s0 =	stileid.u32;
	s4 =	rddreg [dreg:$0x0];
	s14 =	simm.s32 $0x80  }
0x3: {  	s15 =	simm.s32 $0x900;
	s1 =	sand.u32 $0x1, s1;
	s2 =	sshll.u32 s0, $0x1  }
0x4: {  	s16 =	simm.s32 $0x1100;
	s3 =	sor.u32 s1, s2;
	s2 =	simm.s32 $0x0  }
0x5: {  	s17 =	simm.s32 $0x1900;
	s18 =	simm.s32 $0x2100;
	[smem:$0x7FF] =	sst s2  }
0x6: {  	s19 =	simm.s32 $0x2900;
	_ =	strace $0x8000004A;
	[dreg:$0x6] =	wrdreg s14  }
0x7: {  	s20 =	simm.s32 $0x3100;
	s21 =	simm.s32 $0x3900;
	[dreg:$0x7] =	wrdreg s15  }
0x8: {  	s23 =	simm.s32 $0x4100;
	s24 =	simm.s32 $0x4900;
	[dreg:$0x8] =	wrdreg s16  }
0x9: {  	s25 =	simm.s32 $0x5100;
	s26 =	simm.s32 $0x5900;
	[dreg:$0x9] =	wrdreg s17  }
0xa: {  	s7 =	simm.s32 $0x100;
	s9 =	simm.s32 $0x6900;
	[dreg:$0xa] =	wrdreg s18  }
0xb: {  	s10 =	simm.s32 $0x7100;
	s11 =	simm.s32 $0x7900;
	[dreg:$0xb] =	wrdreg s19  }
0xc: {  	s12 =	simm.s32 $0x8100;
	s28 =	simm.s32 $0xF900;
	[dreg:$0xc] =	wrdreg s20  }
0xd: {  	s29 =	simm.s32 $0x1;
	s30 =	simm.s32 $0x2;
	[dreg:$0xd] =	wrdreg s21  }
0xe: {  	s31 =	simm.s32 $0x3;
	s1 =	ssub.s32 $0x2, s1;
	[dreg:$0xe] =	wrdreg s23  }
0xf: {  	s5 =	sshll.u32 s3, $0x4;
	s3 =	sshll.u32 s3, $0xC;
	[dreg:$0xf] =	wrdreg s24  }
0x10: {  	s22 =	sshrl.u32 s1, $0x1;
	s5 =	sadd.s32 s5, s4;
	[dreg:$0x10] =	wrdreg s25  }
0x11: {  	s3 =	sadd.s32 s3, s4;
	s1 =	ssub.s32 s1, s22;
	[dreg:$0x11] =	wrdreg s26  }
0x12: {  	s14 =	simm.s32 $0x9100;
	s15 =	simm.s32 $0x9900;
	s16 =	simm.s32 $0xA100  }
0x13: {  	s17 =	simm.s32 $0xA900;
	s18 =	simm.s32 $0xB100;
	s19 =	simm.s32 $0xB900  }
0x14: {  	s20 =	simm.s32 $0xC100;
	s21 =	simm.s32 $0xC900;
	s6 =	sadd.s32 $0x2A00, s5  }
0x15: {  	s22 =	simm.s32 $0xD100;
	s5 =	sadd.s32 $0x2C00, s5;
	[dreg:$0x2] =	wrdreg s6  }
0x16: {  	s23 =	simm.s32 $0xD900;
	s13 =	sadd.s32 $0x62E00, s3;
	[dreg:$0x3] =	wrdreg s5  }
0x17: {  	s24 =	simm.s32 $0xE100;
	s3 =	sadd.s32 $0x82E00, s3;
	[dreg:$0x4] =	wrdreg s13  }
0x18: {  	v2 =	vlaneseq.u32;
	s25 =	simm.s32 $0xE900;
	s26 =	simm.s32 $0xF100;
	[dreg:$0x5] =	wrdreg s3  }
0x19: {  	vm0 =	vmmov $0xffff;
	v1 =	vshrl.u32 v2, $0x3;
	s3 =	sadd.s32 $0x2E00, s4;
	s4 =	sadd.s32 $0x2F00, s4;
	s5 =	smax.u32 s1, $0x1  }
0x1a: {  	v0 =	vand.u32 $0x7, v2;
	v2 =	vor.u32 $0x8, v2;
	v1 =	vmul.u32 $0x8, v1;
	s6 =	simm.s32 $0x5;
	s13 =	simm.s32 $0x8900;
	s1 =	simm.s32 $0x4  }
.LBB2_1:
0x1b: {  	s0 =	rddreg [dreg:$0x2]  }
0x1c: {  	[tilespmem:s2], [sflag:$0x5] =	stream.linear.gather [hbm4b:s0+s2], $0x80, $0x38;
	[tilespmem:$0x10100] =	vst v63  }
0x1d: {  	_ =	swait.ge [sflag:s6], $0x80  }
0x1e: {  	s0 =	rddreg [dreg:$0x3];
	[sflag:s6] =	ssyncset.done $0x0  }
0x1f: {  	s8 =	rddreg [dreg:$0x6];
	[sflag:s6] =	ssyncadd.s32 $0xFFFFFF80  }
0x20: {  	[tilespmem:s8], [sflag:$0x5] =	stream.linear.gather [hbm4b:s0+s2], $0x80, $0x38;
	[tilespmem:$0x10100] =	vst v63  }
0x21: {  	_ =	swait.ge [sflag:s6], $0x80  }
0x22: {  	[sflag:s6] =	ssyncset.done $0x0  }
0x23: {  	[sflag:s6] =	ssyncadd.s32 $0xFFFFFF80  }
0x24: {  	v3 =	vld [tilespmem:$0x0];
	_ =	sdelay $0x4  }
0x25: {  	v4 =	vshll.u32 v3, $0x2  }
0x26: {  	v3 =	vand.u32 $0x7, v3;
	v4 =	vand.u32 $0xFFFFFFE0, v4  }
0x27: {  	v3 =	vor.u32 v3, v4  }
0x28: {  	v4 =	vperm.xlane v3, v0;
	_ =	sdelay $0x1  }
0x29: {  	v4 =	vadd.s32 v1, v4;
	_ =	sdelay $0x1  }
0x2a: {  	v3 =	vperm.xlane v3, v2;
	_ =	sdelay $0x1  }
0x2b: {  	v3 =	vadd.s32 v1, v3  }
0x2c: {  	[tilespmem:s7], [sflag:$0x1] =	stream.indirect_vreg.gather [hbm4b:s3+s2], $0x80, v4, vm0, $0xb8;
	[tilespmem:$0x10100] =	vst v63  }
0x2d: {  	s0 =	rddreg [dreg:$0x7]  }
0x2e: {  	[tilespmem:s0], [sflag:$0x1] =	stream.indirect_vreg.gather [hbm4b:s4+s2], $0x80, v4, vm0, $0xb8;
	[tilespmem:$0x10100] =	vst v63  }
0x2f: {  	s8 =	rddreg [dreg:$0x8]  }
0x30: {  	[tilespmem:s8], [sflag:$0x1] =	stream.indirect_vreg.gather [hbm4b:s3+s2], $0x80, v3, vm0, $0xb8;
	[tilespmem:$0x10100] =	vst v63  }
0x31: {  	s0 =	rddreg [dreg:$0x9]  }
0x32: {  	[tilespmem:s0], [sflag:$0x1] =	stream.indirect_vreg.gather [hbm4b:s4+s2], $0x80, v3, vm0, $0xb8;
	[tilespmem:$0x10100] =	vst v63  }
0x33: {  	v3 =	vld [tilespmem:$0x10];
	_ =	sdelay $0x4  }
0x34: {  	v57 =	vshll.u32 v3, $0x2  }
0x35: {  	v3 =	vand.u32 $0x7, v3;
	v4 =	vand.u32 $0xFFFFFFE0, v57  }
0x36: {  	v3 =	vor.u32 v3, v4  }
0x37: {  	v4 =	vperm.xlane v3, v0;
	_ =	sdelay $0x1  }
0x38: {  	v4 =	vadd.s32 v1, v4;
	_ =	sdelay $0x1  }
0x39: {  	v3 =	vperm.xlane v3, v2;
	_ =	sdelay $0x1  }
0x3a: {  	s0 =	rddreg [dreg:$0xa];
	v3 =	vadd.s32 v1, v3  }
0x3b: {  	[tilespmem:s0], [sflag:$0x1] =	stream.indirect_vreg.gather [hbm4b:s3+s2], $0x80, v4, vm0, $0xb8;
	[tilespmem:$0x10100] =	vst v63  }
0x3c: {  	s8 =	rddreg [dreg:$0xb]  }
0x3d: {  	[tilespmem:s8], [sflag:$0x1] =	stream.indirect_vreg.gather [hbm4b:s4+s2], $0x80, v4, vm0, $0xb8;
	[tilespmem:$0x10100] =	vst v63  }
0x3e: {  	s0 =	rddreg [dreg:$0xc]  }
0x3f: {  	[tilespmem:s0], [sflag:$0x1] =	stream.indirect_vreg.gather [hbm4b:s3+s2], $0x80, v3, vm0, $0xb8;
	[tilespmem:$0x10100] =	vst v63  }
0x40: {  	s8 =	rddreg [dreg:$0xd]  }
0x41: {  	[tilespmem:s8], [sflag:$0x1] =	stream.indirect_vreg.gather [hbm4b:s4+s2], $0x80, v3, vm0, $0xb8;
	[tilespmem:$0x10100] =	vst v63  }
0x42: {  	v3 =	vld [tilespmem:$0x20];
	_ =	sdelay $0x4  }
0x43: {  	v58 =	vshll.u32 v3, $0x2  }
0x44: {  	v3 =	vand.u32 $0x7, v3;
	v4 =	vand.u32 $0xFFFFFFE0, v58  }
0x45: {  	v3 =	vor.u32 v3, v4  }
0x46: {  	v4 =	vperm.xlane v3, v0;
	_ =	sdelay $0x1  }
0x47: {  	v4 =	vadd.s32 v1, v4;
	_ =	sdelay $0x1  }
0x48: {  	v3 =	vperm.xlane v3, v2;
	_ =	sdelay $0x1  }
0x49: {  	s0 =	rddreg [dreg:$0xe];
	v3 =	vadd.s32 v1, v3  }
0x4a: {  	[tilespmem:s0], [sflag:$0x1] =	stream.indirect_vreg.gather [hbm4b:s3+s2], $0x80, v4, vm0, $0xb8;
	[tilespmem:$0x10100] =	vst v63  }
0x4b: {  	s8 =	rddreg [dreg:$0xf]  }
0x4c: {  	[tilespmem:s8], [sflag:$0x1] =	stream.indirect_vreg.gather [hbm4b:s4+s2], $0x80, v4, vm0, $0xb8;
	[tilespmem:$0x10100] =	vst v63  }
0x4d: {  	s0 =	rddreg [dreg:$0x10]  }
0x4e: {  	[tilespmem:s0], [sflag:$0x1] =	stream.indirect_vreg.gather [hbm4b:s3+s2], $0x80, v3, vm0, $0xb8;
	[tilespmem:$0x10100] =	vst v63  }
0x4f: {  	s8 =	rddreg [dreg:$0x11]  }
0x50: {  	[tilespmem:s8], [sflag:$0x1] =	stream.indirect_vreg.gather [hbm4b:s4+s2], $0x80, v3, vm0, $0xb8;
	[tilespmem:$0x10100] =	vst v63  }
0x51: {  	v3 =	vld [tilespmem:$0x30];
	_ =	sdelay $0x4  }
0x52: {  	v59 =	vshll.u32 v3, $0x2  }
0x53: {  	v3 =	vand.u32 $0x7, v3;
	v4 =	vand.u32 $0xFFFFFFE0, v59  }
0x54: {  	v3 =	vor.u32 v3, v4  }
0x55: {  	v4 =	vperm.xlane v3, v0;
	_ =	sdelay $0x1  }
0x56: {  	v4 =	vadd.s32 v1, v4;
	_ =	sdelay $0x1  }
0x57: {  	v3 =	vperm.xlane v3, v2;
	_ =	sdelay $0x1  }
0x58: {  	s8 =	simm.s32 $0x6100;
	v3 =	vadd.s32 v1, v3  }
0x59: {  	[tilespmem:s8], [sflag:$0x1] =	stream.indirect_vreg.gather [hbm4b:s3+s2], $0x80, v4, vm0, $0xb8;
	[tilespmem:$0x10100] =	vst v63  }
0x5a: {  	_ = 	snop  }
0x5b: {  	[tilespmem:s9], [sflag:$0x1] =	stream.indirect_vreg.gather [hbm4b:s4+s2], $0x80, v4, vm0, $0xb8;
	[tilespmem:$0x10100] =	vst v63  }
0x5c: {  	_ = 	snop  }
0x5d: {  	[tilespmem:s10], [sflag:$0x1] =	stream.indirect_vreg.gather [hbm4b:s3+s2], $0x80, v3, vm0, $0xb8;
	[tilespmem:$0x10100] =	vst v63  }
0x5e: {  	_ = 	snop  }
0x5f: {  	[tilespmem:s11], [sflag:$0x1] =	stream.indirect_vreg.gather [hbm4b:s4+s2], $0x80, v3, vm0, $0xb8;
	[tilespmem:$0x10100] =	vst v63  }
0x60: {  	v3 =	vld [tilespmem:$0x80];
	_ =	sdelay $0x4  }
0x61: {  	v60 =	vshll.u32 v3, $0x2  }
0x62: {  	v3 =	vand.u32 $0x7, v3;
	v4 =	vand.u32 $0xFFFFFFE0, v60  }
0x63: {  	v3 =	vor.u32 v3, v4  }
0x64: {  	v4 =	vperm.xlane v3, v0;
	_ =	sdelay $0x1  }
0x65: {  	v4 =	vadd.s32 v1, v4;
	_ =	sdelay $0x1  }
0x66: {  	v3 =	vperm.xlane v3, v2;
	_ =	sdelay $0x1  }
0x67: {  	v3 =	vadd.s32 v1, v3  }
0x68: {  	[tilespmem:s12], [sflag:$0x2] =	stream.indirect_vreg.gather [hbm4b:s3+s2], $0x80, v4, vm0, $0xb8;
	[tilespmem:$0x10100] =	vst v63  }
0x69: {  	_ = 	snop  }
0x6a: {  	[tilespmem:s13], [sflag:$0x2] =	stream.indirect_vreg.gather [hbm4b:s4+s2], $0x80, v4, vm0, $0xb8;
	[tilespmem:$0x10100] =	vst v63  }
0x6b: {  	_ = 	snop  }
0x6c: {  	[tilespmem:s14], [sflag:$0x2] =	stream.indirect_vreg.gather [hbm4b:s3+s2], $0x80, v3, vm0, $0xb8;
	[tilespmem:$0x10100] =	vst v63  }
0x6d: {  	_ = 	snop  }
0x6e: {  	[tilespmem:s15], [sflag:$0x2] =	stream.indirect_vreg.gather [hbm4b:s4+s2], $0x80, v3, vm0, $0xb8;
	[tilespmem:$0x10100] =	vst v63  }
0x6f: {  	v3 =	vld [tilespmem:$0x90];
	_ =	sdelay $0x4  }
0x70: {  	v61 =	vshll.u32 v3, $0x2  }
0x71: {  	v3 =	vand.u32 $0x7, v3;
	v4 =	vand.u32 $0xFFFFFFE0, v61  }
0x72: {  	v3 =	vor.u32 v3, v4  }
0x73: {  	v4 =	vperm.xlane v3, v0;
	_ =	sdelay $0x1  }
0x74: {  	v4 =	vadd.s32 v1, v4;
	_ =	sdelay $0x1  }
0x75: {  	v3 =	vperm.xlane v3, v2;
	_ =	sdelay $0x1  }
0x76: {  	v3 =	vadd.s32 v1, v3  }
0x77: {  	[tilespmem:s16], [sflag:$0x2] =	stream.indirect_vreg.gather [hbm4b:s3+s2], $0x80, v4, vm0, $0xb8;
	[tilespmem:$0x10100] =	vst v63  }
0x78: {  	_ = 	snop  }
0x79: {  	[tilespmem:s17], [sflag:$0x2] =	stream.indirect_vreg.gather [hbm4b:s4+s2], $0x80, v4, vm0, $0xb8;
	[tilespmem:$0x10100] =	vst v63  }
0x7a: {  	_ = 	snop  }
0x7b: {  	[tilespmem:s18], [sflag:$0x2] =	stream.indirect_vreg.gather [hbm4b:s3+s2], $0x80, v3, vm0, $0xb8;
	[tilespmem:$0x10100] =	vst v63  }
0x7c: {  	_ = 	snop  }
0x7d: {  	[tilespmem:s19], [sflag:$0x2] =	stream.indirect_vreg.gather [hbm4b:s4+s2], $0x80, v3, vm0, $0xb8;
	[tilespmem:$0x10100] =	vst v63  }
0x7e: {  	v3 =	vld [tilespmem:$0xA0];
	_ =	sdelay $0x4  }
0x7f: {  	v62 =	vshll.u32 v3, $0x2  }
0x80: {  	v3 =	vand.u32 $0x7, v3;
	v4 =	vand.u32 $0xFFFFFFE0, v62  }
0x81: {  	v3 =	vor.u32 v3, v4  }
0x82: {  	v4 =	vperm.xlane v3, v0;
	_ =	sdelay $0x1  }
0x83: {  	v4 =	vadd.s32 v1, v4;
	_ =	sdelay $0x1  }
0x84: {  	v3 =	vperm.xlane v3, v2;
	_ =	sdelay $0x1  }
0x85: {  	v3 =	vadd.s32 v1, v3  }
0x86: {  	[tilespmem:s20], [sflag:$0x2] =	stream.indirect_vreg.gather [hbm4b:s3+s2], $0x80, v4, vm0, $0xb8;
	[tilespmem:$0x10100] =	vst v63  }
0x87: {  	_ = 	snop  }
0x88: {  	[tilespmem:s21], [sflag:$0x2] =	stream.indirect_vreg.gather [hbm4b:s4+s2], $0x80, v4, vm0, $0xb8;
	[tilespmem:$0x10100] =	vst v63  }
0x89: {  	_ = 	snop  }
0x8a: {  	[tilespmem:s22], [sflag:$0x2] =	stream.indirect_vreg.gather [hbm4b:s3+s2], $0x80, v3, vm0, $0xb8;
	[tilespmem:$0x10100] =	vst v63  }
0x8b: {  	_ = 	snop  }
0x8c: {  	[tilespmem:s23], [sflag:$0x2] =	stream.indirect_vreg.gather [hbm4b:s4+s2], $0x80, v3, vm0, $0xb8;
	[tilespmem:$0x10100] =	vst v63  }
0x8d: {  	v3 =	vld [tilespmem:$0xB0];
	_ =	sdelay $0x4  }
0x8e: {  	v63 =	vshll.u32 v3, $0x2  }
0x8f: {  	v3 =	vand.u32 $0x7, v3;
	v4 =	vand.u32 $0xFFFFFFE0, v63  }
0x90: {  	v3 =	vor.u32 v3, v4  }
0x91: {  	v4 =	vperm.xlane v3, v0;
	_ =	sdelay $0x1  }
0x92: {  	v4 =	vadd.s32 v1, v4;
	_ =	sdelay $0x1  }
0x93: {  	v3 =	vperm.xlane v3, v2;
	_ =	sdelay $0x1  }
0x94: {  	v3 =	vadd.s32 v1, v3  }
0x95: {  	[tilespmem:s24], [sflag:$0x2] =	stream.indirect_vreg.gather [hbm4b:s3+s2], $0x80, v4, vm0, $0xb8;
	[tilespmem:$0x10100] =	vst v63  }
0x96: {  	_ = 	snop  }
0x97: {  	[tilespmem:s25], [sflag:$0x2] =	stream.indirect_vreg.gather [hbm4b:s4+s2], $0x80, v4, vm0, $0xb8;
	[tilespmem:$0x10100] =	vst v63  }
0x98: {  	_ = 	snop  }
0x99: {  	[tilespmem:s26], [sflag:$0x2] =	stream.indirect_vreg.gather [hbm4b:s3+s2], $0x80, v3, vm0, $0xb8;
	[tilespmem:$0x10100] =	vst v63  }
0x9a: {  	_ = 	snop  }
0x9b: {  	[tilespmem:s28], [sflag:$0x2] =	stream.indirect_vreg.gather [hbm4b:s4+s2], $0x80, v3, vm0, $0xb8;
	[tilespmem:$0x10100] =	vst v63  }
0x9c: {  	_ =	swait.ge [sflag:s29], $0x8000  }
0x9d: {  	[sflag:s29] =	ssyncset.done $0x0  }
0x9e: {  	s8 =	rddreg [dreg:$0x4];
	[sflag:s29] =	ssyncadd.s32 $0xFFFF8000  }
0x9f: {  	[hbm4b:s8+s2] =	stream.linear.scatter [tilespmem:s7], [sflag:$0x3], $0x8000, $0x38;
	[tilespmem:$0x10100] =	vst v63  }
0xa0: {  	_ =	swait.ge [sflag:s30], $0x8000  }
0xa1: {  	[sflag:s30] =	ssyncset.done $0x0  }
0xa2: {  	s8 =	rddreg [dreg:$0x5];
	[sflag:s30] =	ssyncadd.s32 $0xFFFF8000  }
0xa3: {  	[hbm4b:s8+s2] =	stream.linear.scatter [tilespmem:s12], [sflag:$0x4], $0x8000, $0x38;
	[tilespmem:$0x10100] =	vst v63  }
0xa4: {  	p0 =	sne.s32 s5, $0x1;
	_ =	swait.ge [sflag:s31], $0x8000  }
.Ltmp0:
0xa5: {  	[sflag:s31] =	ssyncset.done $0x0;
	(pc) =	sbr.rel @p0 .LBB2_1-.Ltmp0, $4  }
0xa6: {  	[sflag:s31] =	ssyncadd.s32 $0xFFFF8000  }
0xa7: {  	_ =	swait.ge [sflag:s1], $0x8000  }
0xa8: {  	[sflag:s1] =	ssyncset.done $0x0  }
0xa9: {  	s5 =	sadd.s32 $0xFFFFFFFF, s5;
	[sflag:s1] =	ssyncadd.s32 $0xFFFF8000  }
0xaa: {  	_ =	sfence.sel $0x180000  }
0xab: {  	[bflag:$0x0] =	sbarrier.arrive $0xFFFF  }
0xac: {  	_ =	strace $0x9000004A  }
0xad: {  	s0 =	stileid.u32;
	[bflag:$0x2] =	sbarrier.arrive $0xFFFF  }
0xae: {  	p0 =	sne.s32 s0, $0x0;
	s0 =	rddreg [dreg:$0x1]  }
0xaf: {  	s0 =	sadd.s32 @!p0 $0x100000, s0  }
0xb0: {  	[sflag:s0] =	ssyncadd.tile.s32 @!p0 $0x1;
	_ =	shalt  }
.Lfunc_end2:
_tile_overlayer_lowered:
.L_overlay_start_2:
0xb1: {  	(tag) =	ssettag $0x2  }
0xb2: {  	s0 =	rddreg [dreg:$0x0];
	s2 =	stileid.u32  }
0xb3: {  	s1 =	rddreg [dreg:$0x1];
	p0 =	sne.s32 s2, $0x0  }
0xb4: {  	s3 =	rddreg [dreg:$0x2];
	[bflag:$0x3] =	sbarrier.arrive $0xFFFF;
	s2 =	simm.s32 @!p0 $0x1C05  }
0xb5: {  	[timem:s3], [sflag:s2] =	dma.local @!p0 [hbm:s0], s1  }
0xb6: {  	s0 =	simm.s32 @!p0 $0x5  }
0xb7: {  	_ =	swait.ge @!p0 [sflag:s0], s1  }
0xb8: {  	s1 =	ssub.s32 @!p0 $0x0, s1;
	[sflag:s0] =	ssyncset.done @!p0 $0x0  }
0xb9: {  	[sflag:s0] =	ssyncadd.s32 @!p0 s1  }
0xba: {  	[bflag:$0x3] =	sbarrier.arrive $0xFFFF  }
0xbb: {  	_ =	shalt  }

// kernel: kernel.7.cloned.1.call-start
scs
__scs_entry_jumppad:
0x0: {  	(pc) =	sbr.rel $0x88, $3  }
0x1: {  	(tag) =	ssettag $0x0;
	lr =	simm.s32 $0x1  }
0x2: {  	[smem:$0x3F99] =	sst lr;
	_ =	strace $0xD0000000  }
0x3: {  	_ = 	snop  }
0x4: {  	_ = 	snop  }
0x5: {  	_ = 	snop  }
0x6: {  	_ = 	snop  }
0x7: {  	_ = 	snop  }
__scs_overlays_trampoline_lowered:
0x8: {  	[smem:$0x3FA8] =	sst s0  }
0x9: {  	[smem:$0x3FA9] =	sst s1  }
0xa: {  	[smem:$0x3FAA] =	sst s2  }
0xb: {  	[smem:$0x3FAB] =	sst s3  }
0xc: {  	[smem:$0x3FAC] =	sst s4  }
0xd: {  	[smem:$0x3FAD] =	sst s5  }
0xe: {  	[smem:$0x3FAE] =	sst s6  }
0xf: {  	[smem:$0x3FAF] =	sst s7  }
0x10: {  	[smem:$0x3FB0] =	sst s8  }
0x11: {  	[smem:$0x3FB1] =	sst s9;
	s0 =	simm.s32 @!p0 $0x0  }
0x12: {  	s1 =	sld [smem:$0x3F97];
	s0 =	simm.s32 @p0 $0x1  }
0x13: {  	[smem:$0x3FB2] =	sst s0;
	s0 =	simm.s32 @!p1 $0x0  }
0x14: {  	s2 =	sld [smem:$0x3F96];
	s0 =	simm.s32 @p1 $0x1  }
0x15: {  	[smem:$0x3FB3] =	sst s0;
	s0 =	simm.s32 @!p2 $0x0  }
0x16: {  	s3 =	sld [smem:$0x3FDB];
	s0 =	simm.s32 @p2 $0x1  }
0x17: {  	s4 =	simm.s32 $0x1BF5;
	[smem:$0x3FB5] =	sst s0  }
0x18: {  	s0 =	sld [smem:$0x3F98];
	_ =	swait.ge [sflag:s4], $0x0  }
0x19: {  	s7 =	sld [smem:$0x3F99]  }
0x1a: {  	s8 =	sadd.s32 $0xFFFFE003, lr  }
0x1b: {  	s9 =	sadd.s32 $0xFFFFFEF7, lr;
	s5 =	simm.s32 $0xFFFFFFFF;
	p2 =	slt.u32 s8, $0xFFFFF086  }
0x1c: {  	p1 =	slt.u32 s9, $0xF7A;
	s5 =	simm.s32 @!p2 $0x0  }
0x1d: {  	s5 =	simm.s32 @p1 $0x1;
	p0 =	seq.s32 s7, s2  }
0x1e: {  	s7 =	smul.u32 @!p0 $0xF7A, s2;
	p2 =	seq.s32 @!p0 s5, $0x0  }
0x1f: {  	s9 =	smul.u32 $0xF7A, s1;
	s8 =	simm.s32 @!p0 $0x1BF5;
	p2 =	por !p2, p0  }
0x20: {  	[sflag:s8] =	ssyncset.s32 @!p0 $0xFFFFF086;
	s6 =	sadd.s32 @!p0 s3, s7;
	s7 =	simm.s32 @!p0 $0x108  }
0x21: {  	s3 =	sadd.s32 s3, s9;
	s6 =	sadd.s32 @!p0 $0x88, s6;
	s7 =	simm.s32 @p2 $0x1082  }
0x22: {  	[simem:s7], [sflag:s8] =	dma.local @!p0 [hbm:s6], $0xF7A  }
0x23: {  	s9 =	sor.u32 $0xD0000000, s2;
	s6 =	simm.s32 $0x108;
	_ =	swait.ge @!p0 [sflag:s8], $0x0  }
0x24: {  	s3 =	sadd.s32 $0x88, s3;
	s6 =	simm.s32 @!p1 $0x1082;
	[sflag:s4] =	ssyncset.s32 $0xFFFFF086  }
0x25: {  	[simem:s6], [sflag:s4] =	dma.local [hbm:s3], $0xF7A  }
0x26: {  	[smem:$0x3F99] =	sst s1;
	(tag) =	ssettag s2;
	_ =	strace s9  }
0x27: {  	s1 =	sld [smem:$0x3FA9]  }
0x28: {  	s2 =	sld [smem:$0x3FAA]  }
0x29: {  	s4 =	sld [smem:$0x3FAC]  }
0x2a: {  	p0 =	seq.s32 s5, $0x0;
	s5 =	sld [smem:$0x3FAD]  }
0x2b: {  	s6 =	sld [smem:$0x3FAE]  }
0x2c: {  	s7 =	sld [smem:$0x3FAF]  }
0x2d: {  	s3 =	simm.s32 $0x108;
	s8 =	sld [smem:$0x3FB0]  }
0x2e: {  	s3 =	simm.s32 @!p0 $0x1082;
	s9 =	sld [smem:$0x3FB1]  }
0x2f: {  	lr =	sadd.s32 s0, s3;
	s0 =	sld [smem:$0x3FA8]  }
0x30: {  	s3 =	sld [smem:$0x3FAB]  }
0x31: {  	[smem:$0x3FB4] =	sst s10  }
0x32: {  	s10 =	sld [smem:$0x3FB2];
	_ =	sdelay $0x3  }
0x33: {  	p0 =	seq.s32 s10, $0x1;
	s10 =	sld [smem:$0x3FB4];
	_ =	sdelay $0x3  }
0x34: {  	[smem:$0x3FB4] =	sst s10  }
0x35: {  	s10 =	sld [smem:$0x3FB3];
	_ =	sdelay $0x3  }
0x36: {  	p1 =	seq.s32 s10, $0x1;
	s10 =	sld [smem:$0x3FB4];
	_ =	sdelay $0x3  }
0x37: {  	[smem:$0x3FB4] =	sst s10  }
0x38: {  	s10 =	sld [smem:$0x3FB5]  }
0x39: {  	_ = 	snop;
	(pc) =	sbr.ind lr, $3  }
0x3a: {  	_ = 	snop  }
0x3b: {  	_ = 	snop  }
0x3c: {  	p2 =	seq.s32 s10, $0x1;
	s10 =	sld [smem:$0x3FB4]  }
0x3d: {  	_ =	shalt  }
0x3e: {  	_ =	shalt  }
0x3f: {  	_ =	shalt  }
0x40: {  	_ =	shalt  }
0x41: {  	_ =	shalt  }
0x42: {  	_ =	shalt  }
0x43: {  	_ =	shalt  }
0x44: {  	_ =	shalt  }
0x45: {  	_ =	shalt  }
0x46: {  	_ =	shalt  }
0x47: {  	_ =	shalt  }
0x48: {  	_ =	shalt  }
0x49: {  	_ =	shalt  }
0x4a: {  	_ =	shalt  }
0x4b: {  	_ =	shalt  }
0x4c: {  	_ =	shalt  }
0x4d: {  	_ =	shalt  }
0x4e: {  	_ =	shalt  }
0x4f: {  	_ =	shalt  }
0x50: {  	_ =	shalt  }
0x51: {  	_ =	shalt  }
0x52: {  	_ =	shalt  }
0x53: {  	_ =	shalt  }
0x54: {  	_ =	shalt  }
0x55: {  	_ =	shalt  }
0x56: {  	_ =	shalt  }
0x57: {  	_ =	shalt  }
0x58: {  	_ =	shalt  }
0x59: {  	_ =	shalt  }
0x5a: {  	_ =	shalt  }
0x5b: {  	_ =	shalt  }
0x5c: {  	_ =	shalt  }
0x5d: {  	_ =	shalt  }
0x5e: {  	_ =	shalt  }
0x5f: {  	_ =	shalt  }
0x60: {  	_ =	shalt  }
0x61: {  	_ =	shalt  }
0x62: {  	_ =	shalt  }
0x63: {  	_ =	shalt  }
0x64: {  	_ =	shalt  }
0x65: {  	_ =	shalt  }
0x66: {  	_ =	shalt  }
0x67: {  	_ =	shalt  }
0x68: {  	_ =	shalt  }
0x69: {  	_ =	shalt  }
0x6a: {  	_ =	shalt  }
0x6b: {  	_ =	shalt  }
0x6c: {  	_ =	shalt  }
0x6d: {  	_ =	shalt  }
0x6e: {  	_ =	shalt  }
0x6f: {  	_ =	shalt  }
0x70: {  	_ =	shalt  }
0x71: {  	_ =	shalt  }
0x72: {  	_ =	shalt  }
0x73: {  	_ =	shalt  }
0x74: {  	_ =	shalt  }
0x75: {  	_ =	shalt  }
0x76: {  	_ =	shalt  }
0x77: {  	_ =	shalt  }
0x78: {  	_ =	shalt  }
0x79: {  	_ =	shalt  }
0x7a: {  	_ =	shalt  }
0x7b: {  	_ =	shalt  }
0x7c: {  	_ =	shalt  }
0x7d: {  	_ =	shalt  }
0x7e: {  	_ =	shalt  }
0x7f: {  	_ =	shalt  }
0x80: {  	_ =	shalt  }
0x81: {  	_ =	shalt  }
0x82: {  	_ =	shalt  }
0x83: {  	_ =	shalt  }
0x84: {  	_ =	shalt  }
0x85: {  	_ =	shalt  }
0x86: {  	_ =	shalt  }
0x87: {  	_ =	shalt  }
.Lfunc_end0:
.L_simem_size_0:
called_computation_lowered:
.L_overlay_start_0:
0x88: {  	s2 =	sld [smem:$0x3FD9]  }
0x89: {  	s3 =	sld [smem:$0x3FFE];
	_ =	sdelay $0x1  }
0x8a: {  	s1 =	srdreg.scid  }
0x8b: {  	s0 =	sand.u32 $0x1, s1  }
0x8c: {  	s17 =	sshll.u32 s0, $0xA;
	s2 =	sadd.s32 s3, s2  }
0x8d: {  	s2 =	sadd.s32 s2, s17  }
0x8e: {  	[smem:$0x3FC0] =	sst s2  }
0x8f: {  	_ = 	snop  }
0x90: {  	s2 =	sld [smem:$0x3FD0];
	(tm) =	ssettm $0x1  }
0x91: {  	s18 =	sld [smem:$0x3FFB];
	_ =	sdelay $0x3  }
0x92: {  	_ =	strace s18  }
0x93: {  	s3 =	sld [smem:$0x3FFC];
	_ =	sdelay $0x3  }
0x94: {  	_ =	strace s3  }
0x95: {  	s3 =	sld [smem:$0x3FFD];
	_ =	sdelay $0x3  }
0x96: {  	_ =	strace s3  }
0x97: {  	_ =	strace $0x8FFFFFFF  }
0x98: {  	s19 =	sld [smem:$0x3FDB];
	_ =	sdelay $0x1  }
0x99: {  	s4 =	simm.s32 $_scs_section_size  }
0x9a: {  	s5 =	simm.s32 $_size__tile_overlayer_lowered;
	s6 =	simm.s32 $_tile_overlayer_lowered  }
0x9b: {  	s22 =	simm.s32 $0x1BFF;
	s21 =	sshll.u32 s6, $0x1;
	s3 =	sadd.s32 s4, s19  }
0x9c: {  	s7 =	simm.s32 $0x0;
	s20 =	sshll.u32 s5, $0x1;
	s5 =	sadd.s32 s21, s3  }
0x9d: {  	[timem:s7], [sflag:s22] =	dma.local [hbm:s5], s20  }
0x9e: {  	_ =	swait.ge [sflag:s22], s20  }
0x9f: {  	s4 =	ssub.s32 $0x0, s20;
	[sflag:s22] =	ssyncset.done $0x0  }
0xa0: {  	[sflag:s22] =	ssyncadd.s32 s4;
	_ =	sdelay $0x1  }
0xa1: {  	s23 =	simm.s32 $0x1B8B  }
0xa2: {  	_ =	swait.ge [sflag:s23], $0x1  }
0xa3: {  	[sflag:s23] =	ssyncset.done $0x0  }
0xa4: {  	s25 =	simm.s32 $0x1B8E;
	s24 =	sld [smem:$0x3FFE];
	[sflag:s23] =	ssyncadd.s32 $0xFFFFFFFF  }
0xa5: {  	s26 =	simm.s32 $execute0_lowered;
	[smem:$0x3FD2] =	sst s25  }
0xa6: {  	s5 =	sshll.u32 s26, $0x1;
	_ =	strace $0x80000046;
	[dreg:$0x1] =	wrdreg $0xFFFFFFFF  }
0xa7: {  	s28 =	simm.s32 $_size_execute0_lowered;
	s3 =	sadd.s32 s3, s5;
	[dreg:$0x0] =	wrdreg $0x0  }
0xa8: {  	s5 =	sshll.u32 s28, $0x1;
	[dreg:$0x2] =	wrdreg s3  }
0xa9: {  	[dreg:$0x3] =	wrdreg s5  }
0xaa: {  	[dreg:$0x4] =	wrdreg $0xC0  }
0xab: {  	_ =	task [dreg:s7], $0x5FFFF  }
0xac: {  	[dreg:$0x1] =	wrdreg $0xFFFFFFFF  }
0xad: {  	[dreg:$0x0] =	wrdreg $0x60  }
0xae: {  	[dreg:$0x2] =	wrdreg s2  }
0xaf: {  	[dreg:$0x3] =	wrdreg s24  }
0xb0: {  	[dreg:$0x4] =	wrdreg $0x9  }
0xb1: {  	_ =	task.clear_ibuf [dreg:s7], $0x5FFFF;
	_ =	strace $0x90000046  }
0xb2: {  	s29 =	simm.s32 $0x9;
	_ =	strace $0x80000048  }
0xb3: {  	_ =	swait.ge [sflag:s29], $0x1  }
0xb4: {  	[sflag:s29] =	ssyncadd.s32 $0xFFFFFFFF  }
0xb5: {  	_ =	strace $0x90000048  }
0xb6: {  	_ =	sfence  }
0xb7: {  	s30 =	sld [smem:$0x0];
	_ =	sdelay $0x2  }
0xb8: {  	s31 =	sshll.u32 s1, $0xD;
	s1 =	sshrl.u32 s1, $0x2  }
0xb9: {  	s3 =	sand.u32 $0x4000, s31;
	s1 =	sadd.s32 s1, s30  }
0xba: {  	s0 =	sor.u32 s3, s0;
	s1 =	sshll.u32 s1, $0x11  }
0xbb: {  	s0 =	sor.u32 s1, s0  }
0xbc: {  	s0 =	sadd.s32 $0x8F2B, s0  }
0xbd: {  	[sflag:s0] =	ssyncadd.remote.s32 $0x1  }
0xbe: {  	_ =	sfence.sel $0xFFFF  }
0xbf: {  	[dreg:$0x0] =	wrdreg $0xFFFFFFFF;
	(pc) =	sbr.abs _section_cstart, $3  }
0xc0: {  	[dreg:$0x1] =	wrdreg $0xFFFFFFFF  }
0xc1: {  	_ =	task.clear_ibuf [dreg:s7], $0x2FFFF;
	_ =	strace $0x9FFFFFFF  }
0xc2: {  	(tm) =	ssettm $0x7FFFFFFF  }
0xc3: {  	_ =	shalt  }
tec
execute0_lowered:
.L_overlay_start_1:
0x0: {  	(tag) =	ssettag $0x1  }
0x1: {  	s4 =	rddreg [dreg:$0x0]  }
0x2: {  	s7 =	rddreg [dreg:$0x1]  }
0x3: {  	s0 =	rddreg [dreg:$0x2];
	s3 =	srdreg.scid  }
0x4: {  	s1 =	stileid.u32;
	s2 =	simm.s32 $0x0;
	s10 =	simm.s32 $0x3  }
0x5: {  	s11 =	simm.s32 $0x80;
	s12 =	simm.s32 $0x1;
	s13 =	simm.s32 $0x900  }
0x6: {  	s14 =	simm.s32 $0x1100;
	s15 =	simm.s32 $0x1900;
	s16 =	simm.s32 $0x2100  }
0x7: {  	s17 =	simm.s32 $0x2900;
	s18 =	simm.s32 $0x3100;
	s19 =	simm.s32 $0x3900  }
0x8: {  	s20 =	simm.s32 $0x4100;
	s21 =	simm.s32 $0x4900;
	s22 =	simm.s32 $0x5100  }
0x9: {  	s23 =	simm.s32 $0x5900;
	s24 =	simm.s32 $0x6100;
	s25 =	simm.s32 $0x6900  }
0xa: {  	s26 =	simm.s32 $0x7100;
	s28 =	simm.s32 $0x7900;
	s29 =	simm.s32 $0x2  }
0xb: {  	s3 =	sand.u32 $0x1, s3;
	s5 =	sshll.u32 s1, $0x1;
	[smem:$0x7FF] =	sst s2  }
0xc: {  	s5 =	sor.u32 s3, s5;
	_ =	strace $0x80000047;
	s8 =	ssub.s32 $0x2, s3  }
0xd: {  	s3 =	sadd.s32 $0x2E00, s7;
	s6 =	sshll.u32 s5, $0x4;
	s9 =	sshrl.u32 s8, $0x1  }
0xe: {  	v2 =	vlaneseq.u32;
	s5 =	sshll.u32 s5, $0xC;
	s6 =	sadd.s32 s6, s7;
	s8 =	ssub.s32 s8, s9  }
0xf: {  	vm0 =	vmmov $0xffff;
	v1 =	vshrl.u32 v2, $0x3;
	s4 =	sadd.s32 s4, s5;
	s7 =	sadd.s32 $0x2F00, s7;
	s9 =	simm.s32 $0x100  }
0x10: {  	v0 =	vand.u32 $0x7, v2;
	v2 =	vor.u32 $0x8, v2;
	v1 =	vmul.u32 $0x8, v1;
	s5 =	sadd.s32 $0x2A00, s6;
	s6 =	sadd.s32 $0x2C00, s6;
	s8 =	smax.u32 s8, $0x1  }
.LBB2_1:
0x11: {  	[tilespmem:s9], [sflag:$0x1] =	stream.linear.gather [hbm4b:s4+s2], $0x8000, $0x38;
	[tilespmem:$0x8100] =	vst v63  }
0x12: {  	_ = 	snop  }
0x13: {  	[tilespmem:s2], [sflag:$0x3] =	stream.linear.gather [hbm4b:s5+s2], $0x80, $0x38;
	[tilespmem:$0x8100] =	vst v63  }
0x14: {  	_ =	swait.ge [sflag:s10], $0x80  }
0x15: {  	[sflag:s10] =	ssyncset.done $0x0  }
0x16: {  	[sflag:s10] =	ssyncadd.s32 $0xFFFFFF80  }
0x17: {  	[tilespmem:s11], [sflag:$0x3] =	stream.linear.gather [hbm4b:s6+s2], $0x80, $0x38;
	[tilespmem:$0x8100] =	vst v63  }
0x18: {  	_ =	swait.ge [sflag:s10], $0x80  }
0x19: {  	[sflag:s10] =	ssyncset.done $0x0  }
0x1a: {  	[sflag:s10] =	ssyncadd.s32 $0xFFFFFF80  }
0x1b: {  	_ =	swait.ge [sflag:s12], $0x8000  }
0x1c: {  	[sflag:s12] =	ssyncset.done $0x0  }
0x1d: {  	[sflag:s12] =	ssyncadd.s32 $0xFFFF8000  }
0x1e: {  	v3 =	vld [tilespmem:$0x0];
	_ =	sdelay $0x4  }
0x1f: {  	v4 =	vshll.u32 v3, $0x2  }
0x20: {  	v3 =	vand.u32 $0x7, v3;
	v4 =	vand.u32 $0xFFFFFFE0, v4  }
0x21: {  	v3 =	vor.u32 v3, v4  }
0x22: {  	v4 =	vperm.xlane v3, v0;
	_ =	sdelay $0x1  }
0x23: {  	v4 =	vadd.s32 v1, v4;
	_ =	sdelay $0x1  }
0x24: {  	v3 =	vperm.xlane v3, v2;
	_ =	sdelay $0x1  }
0x25: {  	v3 =	vadd.s32 v1, v3  }
0x26: {  	[hbm4b:s3+s2] =	stream.indirect_vreg.scatter [tilespmem:s9], [sflag:$0x2], $0x80, v4, vm0, $0xb8;
	[tilespmem:$0x8100] =	vst v63  }
0x27: {  	_ = 	snop  }
0x28: {  	[hbm4b:s7+s2] =	stream.indirect_vreg.scatter [tilespmem:s13], [sflag:$0x2], $0x80, v4, vm0, $0xb8;
	[tilespmem:$0x8100] =	vst v63  }
0x29: {  	_ = 	snop  }
0x2a: {  	[hbm4b:s3+s2] =	stream.indirect_vreg.scatter [tilespmem:s14], [sflag:$0x2], $0x80, v3, vm0, $0xb8;
	[tilespmem:$0x8100] =	vst v63  }
0x2b: {  	_ = 	snop  }
0x2c: {  	[hbm4b:s7+s2] =	stream.indirect_vreg.scatter [tilespmem:s15], [sflag:$0x2], $0x80, v3, vm0, $0xb8;
	[tilespmem:$0x8100] =	vst v63  }
0x2d: {  	v3 =	vld [tilespmem:$0x10];
	_ =	sdelay $0x4  }
0x2e: {  	v57 =	vshll.u32 v3, $0x2  }
0x2f: {  	v3 =	vand.u32 $0x7, v3;
	v4 =	vand.u32 $0xFFFFFFE0, v57  }
0x30: {  	v3 =	vor.u32 v3, v4  }
0x31: {  	v4 =	vperm.xlane v3, v0;
	_ =	sdelay $0x1  }
0x32: {  	v4 =	vadd.s32 v1, v4;
	_ =	sdelay $0x1  }
0x33: {  	v3 =	vperm.xlane v3, v2;
	_ =	sdelay $0x1  }
0x34: {  	v3 =	vadd.s32 v1, v3  }
0x35: {  	[hbm4b:s3+s2] =	stream.indirect_vreg.scatter [tilespmem:s16], [sflag:$0x2], $0x80, v4, vm0, $0xb8;
	[tilespmem:$0x8100] =	vst v63  }
0x36: {  	_ = 	snop  }
0x37: {  	[hbm4b:s7+s2] =	stream.indirect_vreg.scatter [tilespmem:s17], [sflag:$0x2], $0x80, v4, vm0, $0xb8;
	[tilespmem:$0x8100] =	vst v63  }
0x38: {  	_ = 	snop  }
0x39: {  	[hbm4b:s3+s2] =	stream.indirect_vreg.scatter [tilespmem:s18], [sflag:$0x2], $0x80, v3, vm0, $0xb8;
	[tilespmem:$0x8100] =	vst v63  }
0x3a: {  	_ = 	snop  }
0x3b: {  	[hbm4b:s7+s2] =	stream.indirect_vreg.scatter [tilespmem:s19], [sflag:$0x2], $0x80, v3, vm0, $0xb8;
	[tilespmem:$0x8100] =	vst v63  }
0x3c: {  	v3 =	vld [tilespmem:$0x20];
	_ =	sdelay $0x4  }
0x3d: {  	v58 =	vshll.u32 v3, $0x2  }
0x3e: {  	v3 =	vand.u32 $0x7, v3;
	v4 =	vand.u32 $0xFFFFFFE0, v58  }
0x3f: {  	v3 =	vor.u32 v3, v4  }
0x40: {  	v4 =	vperm.xlane v3, v0;
	_ =	sdelay $0x1  }
0x41: {  	v4 =	vadd.s32 v1, v4;
	_ =	sdelay $0x1  }
0x42: {  	v3 =	vperm.xlane v3, v2;
	_ =	sdelay $0x1  }
0x43: {  	v3 =	vadd.s32 v1, v3  }
0x44: {  	[hbm4b:s3+s2] =	stream.indirect_vreg.scatter [tilespmem:s20], [sflag:$0x2], $0x80, v4, vm0, $0xb8;
	[tilespmem:$0x8100] =	vst v63  }
0x45: {  	_ = 	snop  }
0x46: {  	[hbm4b:s7+s2] =	stream.indirect_vreg.scatter [tilespmem:s21], [sflag:$0x2], $0x80, v4, vm0, $0xb8;
	[tilespmem:$0x8100] =	vst v63  }
0x47: {  	_ = 	snop  }
0x48: {  	[hbm4b:s3+s2] =	stream.indirect_vreg.scatter [tilespmem:s22], [sflag:$0x2], $0x80, v3, vm0, $0xb8;
	[tilespmem:$0x8100] =	vst v63  }
0x49: {  	_ = 	snop  }
0x4a: {  	[hbm4b:s7+s2] =	stream.indirect_vreg.scatter [tilespmem:s23], [sflag:$0x2], $0x80, v3, vm0, $0xb8;
	[tilespmem:$0x8100] =	vst v63  }
0x4b: {  	v3 =	vld [tilespmem:$0x30];
	_ =	sdelay $0x4  }
0x4c: {  	v59 =	vshll.u32 v3, $0x2  }
0x4d: {  	v3 =	vand.u32 $0x7, v3;
	v4 =	vand.u32 $0xFFFFFFE0, v59  }
0x4e: {  	v3 =	vor.u32 v3, v4  }
0x4f: {  	v4 =	vperm.xlane v3, v0;
	_ =	sdelay $0x1  }
0x50: {  	v4 =	vadd.s32 v1, v4;
	_ =	sdelay $0x1  }
0x51: {  	v3 =	vperm.xlane v3, v2;
	_ =	sdelay $0x1  }
0x52: {  	v3 =	vadd.s32 v1, v3  }
0x53: {  	[hbm4b:s3+s2] =	stream.indirect_vreg.scatter [tilespmem:s24], [sflag:$0x2], $0x80, v4, vm0, $0xb8;
	[tilespmem:$0x8100] =	vst v63  }
0x54: {  	_ = 	snop  }
0x55: {  	[hbm4b:s7+s2] =	stream.indirect_vreg.scatter [tilespmem:s25], [sflag:$0x2], $0x80, v4, vm0, $0xb8;
	[tilespmem:$0x8100] =	vst v63  }
0x56: {  	_ = 	snop  }
0x57: {  	[hbm4b:s3+s2] =	stream.indirect_vreg.scatter [tilespmem:s26], [sflag:$0x2], $0x80, v3, vm0, $0xb8;
	[tilespmem:$0x8100] =	vst v63  }
0x58: {  	_ = 	snop  }
0x59: {  	[hbm4b:s7+s2] =	stream.indirect_vreg.scatter [tilespmem:s28], [sflag:$0x2], $0x80, v3, vm0, $0xb8;
	[tilespmem:$0x8100] =	vst v63  }
0x5a: {  	v3 =	vld [tilespmem:$0x80];
	_ =	sdelay $0x4  }
0x5b: {  	v60 =	vshll.u32 v3, $0x2  }
0x5c: {  	v3 =	vand.u32 $0x7, v3;
	v4 =	vand.u32 $0xFFFFFFE0, v60  }
0x5d: {  	v3 =	vor.u32 v3, v4  }
0x5e: {  	v4 =	vperm.xlane v3, v0;
	_ =	sdelay $0x1  }
0x5f: {  	v4 =	vadd.s32 v1, v4;
	_ =	sdelay $0x1  }
0x60: {  	v3 =	vperm.xlane v3, v2;
	_ =	sdelay $0x1  }
0x61: {  	v3 =	vadd.s32 v1, v3  }
0x62: {  	[hbm4b:s3+s2] =	stream.indirect_vreg.scatter [tilespmem:s9], [sflag:$0x2], $0x80, v4, vm0, $0xb8;
	[tilespmem:$0x8100] =	vst v63  }
0x63: {  	_ = 	snop  }
0x64: {  	[hbm4b:s7+s2] =	stream.indirect_vreg.scatter [tilespmem:s13], [sflag:$0x2], $0x80, v4, vm0, $0xb8;
	[tilespmem:$0x8100] =	vst v63  }
0x65: {  	_ = 	snop  }
0x66: {  	[hbm4b:s3+s2] =	stream.indirect_vreg.scatter [tilespmem:s14], [sflag:$0x2], $0x80, v3, vm0, $0xb8;
	[tilespmem:$0x8100] =	vst v63  }
0x67: {  	_ = 	snop  }
0x68: {  	[hbm4b:s7+s2] =	stream.indirect_vreg.scatter [tilespmem:s15], [sflag:$0x2], $0x80, v3, vm0, $0xb8;
	[tilespmem:$0x8100] =	vst v63  }
0x69: {  	v3 =	vld [tilespmem:$0x90];
	_ =	sdelay $0x4  }
0x6a: {  	v61 =	vshll.u32 v3, $0x2  }
0x6b: {  	v3 =	vand.u32 $0x7, v3;
	v4 =	vand.u32 $0xFFFFFFE0, v61  }
0x6c: {  	v3 =	vor.u32 v3, v4  }
0x6d: {  	v4 =	vperm.xlane v3, v0;
	_ =	sdelay $0x1  }
0x6e: {  	v4 =	vadd.s32 v1, v4;
	_ =	sdelay $0x1  }
0x6f: {  	v3 =	vperm.xlane v3, v2;
	_ =	sdelay $0x1  }
0x70: {  	v3 =	vadd.s32 v1, v3  }
0x71: {  	[hbm4b:s3+s2] =	stream.indirect_vreg.scatter [tilespmem:s16], [sflag:$0x2], $0x80, v4, vm0, $0xb8;
	[tilespmem:$0x8100] =	vst v63  }
0x72: {  	_ = 	snop  }
0x73: {  	[hbm4b:s7+s2] =	stream.indirect_vreg.scatter [tilespmem:s17], [sflag:$0x2], $0x80, v4, vm0, $0xb8;
	[tilespmem:$0x8100] =	vst v63  }
0x74: {  	_ = 	snop  }
0x75: {  	[hbm4b:s3+s2] =	stream.indirect_vreg.scatter [tilespmem:s18], [sflag:$0x2], $0x80, v3, vm0, $0xb8;
	[tilespmem:$0x8100] =	vst v63  }
0x76: {  	_ = 	snop  }
0x77: {  	[hbm4b:s7+s2] =	stream.indirect_vreg.scatter [tilespmem:s19], [sflag:$0x2], $0x80, v3, vm0, $0xb8;
	[tilespmem:$0x8100] =	vst v63  }
0x78: {  	v3 =	vld [tilespmem:$0xA0];
	_ =	sdelay $0x4  }
0x79: {  	v62 =	vshll.u32 v3, $0x2  }
0x7a: {  	v3 =	vand.u32 $0x7, v3;
	v4 =	vand.u32 $0xFFFFFFE0, v62  }
0x7b: {  	v3 =	vor.u32 v3, v4  }
0x7c: {  	v4 =	vperm.xlane v3, v0;
	_ =	sdelay $0x1  }
0x7d: {  	v4 =	vadd.s32 v1, v4;
	_ =	sdelay $0x1  }
0x7e: {  	v3 =	vperm.xlane v3, v2;
	_ =	sdelay $0x1  }
0x7f: {  	v3 =	vadd.s32 v1, v3  }
0x80: {  	[hbm4b:s3+s2] =	stream.indirect_vreg.scatter [tilespmem:s20], [sflag:$0x2], $0x80, v4, vm0, $0xb8;
	[tilespmem:$0x8100] =	vst v63  }
0x81: {  	_ = 	snop  }
0x82: {  	[hbm4b:s7+s2] =	stream.indirect_vreg.scatter [tilespmem:s21], [sflag:$0x2], $0x80, v4, vm0, $0xb8;
	[tilespmem:$0x8100] =	vst v63  }
0x83: {  	_ = 	snop  }
0x84: {  	[hbm4b:s3+s2] =	stream.indirect_vreg.scatter [tilespmem:s22], [sflag:$0x2], $0x80, v3, vm0, $0xb8;
	[tilespmem:$0x8100] =	vst v63  }
0x85: {  	_ = 	snop  }
0x86: {  	[hbm4b:s7+s2] =	stream.indirect_vreg.scatter [tilespmem:s23], [sflag:$0x2], $0x80, v3, vm0, $0xb8;
	[tilespmem:$0x8100] =	vst v63  }
0x87: {  	v3 =	vld [tilespmem:$0xB0];
	_ =	sdelay $0x4  }
0x88: {  	v63 =	vshll.u32 v3, $0x2  }
0x89: {  	v3 =	vand.u32 $0x7, v3;
	v4 =	vand.u32 $0xFFFFFFE0, v63  }
0x8a: {  	v3 =	vor.u32 v3, v4  }
0x8b: {  	v4 =	vperm.xlane v3, v0;
	_ =	sdelay $0x1  }
0x8c: {  	v4 =	vadd.s32 v1, v4;
	_ =	sdelay $0x1  }
0x8d: {  	v3 =	vperm.xlane v3, v2;
	_ =	sdelay $0x1  }
0x8e: {  	v3 =	vadd.s32 v1, v3  }
0x8f: {  	[hbm4b:s3+s2] =	stream.indirect_vreg.scatter [tilespmem:s24], [sflag:$0x2], $0x80, v4, vm0, $0xb8;
	[tilespmem:$0x8100] =	vst v63  }
0x90: {  	_ = 	snop  }
0x91: {  	[hbm4b:s7+s2] =	stream.indirect_vreg.scatter [tilespmem:s25], [sflag:$0x2], $0x80, v4, vm0, $0xb8;
	[tilespmem:$0x8100] =	vst v63  }
0x92: {  	_ = 	snop  }
0x93: {  	[hbm4b:s3+s2] =	stream.indirect_vreg.scatter [tilespmem:s26], [sflag:$0x2], $0x80, v3, vm0, $0xb8;
	[tilespmem:$0x8100] =	vst v63  }
0x94: {  	_ = 	snop  }
0x95: {  	[hbm4b:s7+s2] =	stream.indirect_vreg.scatter [tilespmem:s28], [sflag:$0x2], $0x80, v3, vm0, $0xb8;
	[tilespmem:$0x8100] =	vst v63  }
0x96: {  	p0 =	sne.s32 s8, $0x1;
	_ =	swait.ge [sflag:s29], $0x8000  }
.Ltmp0:
0x97: {  	[sflag:s29] =	ssyncset.done $0x0;
	(pc) =	sbr.rel @p0 .LBB2_1-.Ltmp0, $4  }
0x98: {  	[sflag:s29] =	ssyncadd.s32 $0xFFFF8000  }
0x99: {  	_ =	swait.ge [sflag:s29], $0x8000  }
0x9a: {  	[sflag:s29] =	ssyncset.done $0x0  }
0x9b: {  	s8 =	sadd.s32 $0xFFFFFFFF, s8;
	[sflag:s29] =	ssyncadd.s32 $0xFFFF8000  }
0x9c: {  	_ =	sfence.sel $0x180000  }
0x9d: {  	[bflag:$0x0] =	sbarrier.arrive $0xFFFF  }
0x9e: {  	p0 =	sne.s32 s1, $0x0;
	_ =	strace $0x90000047  }
0x9f: {  	s0 =	sadd.s32 @!p0 $0x100000, s0;
	[bflag:$0x2] =	sbarrier.arrive $0xFFFF  }
0xa0: {  	[sflag:s0] =	ssyncadd.tile.s32 @!p0 $0x1;
	_ =	shalt  }
.Lfunc_end2:
_tile_overlayer_lowered:
.L_overlay_start_2:
0xa1: {  	(tag) =	ssettag $0x2  }
0xa2: {  	s0 =	rddreg [dreg:$0x0];
	s2 =	stileid.u32  }
0xa3: {  	s1 =	rddreg [dreg:$0x1];
	p0 =	sne.s32 s2, $0x0  }
0xa4: {  	s3 =	rddreg [dreg:$0x2];
	[bflag:$0x3] =	sbarrier.arrive $0xFFFF;
	s2 =	simm.s32 @!p0 $0x1C03  }
0xa5: {  	[timem:s3], [sflag:s2] =	dma.local @!p0 [hbm:s0], s1  }
0xa6: {  	s0 =	simm.s32 @!p0 $0x3  }
0xa7: {  	_ =	swait.ge @!p0 [sflag:s0], s1  }
0xa8: {  	s1 =	ssub.s32 @!p0 $0x0, s1;
	[sflag:s0] =	ssyncset.done @!p0 $0x0  }
0xa9: {  	[sflag:s0] =	ssyncadd.s32 @!p0 s1  }
0xaa: {  	[bflag:$0x3] =	sbarrier.arrive $0xFFFF  }
0xab: {  	_ =	shalt  }

</sc_bundles>
